<compile_context>
chip_gen: v7x
topology: tpu7x:2x2x1
jax: 0.10.2.dev20260603
libtpu: 0.0.44.dev20260713+nightly
codegen_flags: <defaults>
</compile_context>

<pallas_src>
import jax
import jax.numpy as jnp
import numpy as _np
from jax import lax
from jax.experimental import pallas as pl
from jax.experimental.pallas import tpu as pltpu
from jax.experimental.pallas import tpu_sc as plsc

N = 10000
E = 320000
D = 128
R = 4
H1 = 16
H2 = 32
C = 8
G = 64

RN = R * N
PAD_ROWS = 64
RNP = RN + PAD_ROWS
NSUB = 16
NCORE = 2
NW = NSUB * NCORE
EB = 128
EPW = 10240
NBLK = EPW // EB
NBUF = 5
EPAD = NW * EPW
SUB_ROWS = RNP // NSUB

LW = R * H2
RNP4 = RNP // R
NB = 2000
NGRID = N // NB

_selnp = _np.zeros((LW, LW), _np.float32)
for _j in range(LW):
    _selnp[(_j // H2) * H2 + H1, _j] = 1.0
_cvnp = _np.zeros((1, LW), _np.float32)
_cvnp[0, H1::H2] = 1.0


EROWS = E // EB
TROWS = EPAD // EB
PADB = TROWS - EROWS


def _idx_body(ei_ref, t_ref, g_ref, s_ref):
    t = t_ref[...]
    row = lax.broadcasted_iota(jnp.int32, (PADB, EB), 0)
    lane = lax.broadcasted_iota(jnp.int32, (PADB, EB), 1)
    pad = (row * EB + lane) % PAD_ROWS
    g_ref[...] = jnp.concatenate([ei_ref[0] * R + t, pad], axis=0)
    s_ref[...] = jnp.concatenate([ei_ref[1] * R + t, RN + pad], axis=0)


def _edge_indices(ei3, t3):
    return pl.pallas_call(
        _idx_body,
        grid=(1,),
        in_specs=[pl.BlockSpec((2, EROWS, EB), lambda i: (0, 0, 0)),
                  pl.BlockSpec((EROWS, EB), lambda i: (0, 0))],
        out_specs=[pl.BlockSpec((TROWS, EB), lambda i: (0, 0)),
                   pl.BlockSpec((TROWS, EB), lambda i: (0, 0))],
        out_shape=[jax.ShapeDtypeStruct((TROWS, EB), jnp.int32),
                   jax.ShapeDtypeStruct((TROWS, EB), jnp.int32)],
    )(ei3, t3)


def _y1_body(x_ref, w_ref, cv_ref, y_ref):
    y_ref[...] = jnp.dot(x_ref[...], w_ref[...],
                         preferred_element_type=jnp.float32) + cv_ref[...]


def _relation_matmul(x, W1cat, cvec):
    return pl.pallas_call(
        _y1_body,
        grid=(NGRID,),
        in_specs=[pl.BlockSpec((NB, D), lambda i: (i, 0)),
                  pl.BlockSpec((D, LW), lambda i: (0, 0)),
                  pl.BlockSpec((1, LW), lambda i: (0, 0))],
        out_specs=pl.BlockSpec((NB, LW), lambda i: (i, 0)),
        out_shape=jax.ShapeDtypeStruct((N, LW), jnp.float32),
    )(x, W1cat, cvec)


def _make_edge_scatter(width, nbuf):
    mesh = plsc.VectorSubcoreMesh(core_axis_name="c", subcore_axis_name="s")
    out_type = [jax.ShapeDtypeStruct((NCORE, RNP, width), jnp.float32)]
    scratch = [
        pltpu.VMEM_SHARED((RNP, width), jnp.float32),
        pltpu.VMEM((NBLK, EB), jnp.int32),
        pltpu.VMEM((NBLK, EB), jnp.int32),
    ] + [pltpu.VMEM((EB, width), jnp.float32) for _ in range(nbuf)] + [
        pltpu.SemaphoreType.DMA((nbuf,)),
        pltpu.SemaphoreType.DMA((nbuf,)),
    ]

    def body(y_hbm, g_hbm, s_hbm, z_hbm, out_acc, acc_sh, g_all, s_all,
             *rest):
        rbuf = rest[:nbuf]
        gsem, ssem = rest[nbuf:]
        cid = lax.axis_index("c")
        sid = lax.axis_index("s")
        wid = cid * NSUB + sid
        rows = pl.ds(sid * SUB_ROWS, SUB_ROWS)
        pltpu.sync_copy(g_hbm.at[wid], g_all)
        pltpu.sync_copy(s_hbm.at[wid], s_all)
        pltpu.sync_copy(z_hbm.at[rows], acc_sh.at[rows])
        plsc.subcore_barrier()

        for k in range(nbuf):
            pltpu.async_copy(y_hbm.at[g_all.at[k]], rbuf[k], gsem.at[k])

        def step(j, carry):
            for k in range(nbuf):
                b = j * nbuf + k
                pltpu.make_async_copy(y_hbm.at[g_all.at[b]], rbuf[k],
                                      gsem.at[k]).wait()
                pltpu.async_copy(rbuf[k], acc_sh.at[s_all.at[b]],
                                 ssem.at[k], add=True)
            for k in range(nbuf):
                b = j * nbuf + k
                pltpu.make_async_copy(rbuf[k], acc_sh.at[s_all.at[b]],
                                      ssem.at[k]).wait()

                @pl.when(j < NBLK // nbuf - 1)
                def _(k=k, b=b):
                    pltpu.async_copy(y_hbm.at[g_all.at[b + nbuf]], rbuf[k],
                                     gsem.at[k])
            return carry

        lax.fori_loop(0, NBLK // nbuf, step, 0)
        plsc.subcore_barrier()
        pltpu.sync_copy(acc_sh.at[rows], out_acc.at[cid, rows])

    return pl.kernel(body, out_type=out_type, mesh=mesh, scratch_types=scratch,
                     compiler_params=pltpu.CompilerParams(
                         use_tc_tiling_on_sc=False))


_edge_scatter = _make_edge_scatter(H2, NBUF)


def _fold_msg(ap, sel):
    q = ap / jnp.maximum(jnp.dot(ap, sel, preferred_element_type=jnp.float32),
                         1.0)
    return (q[:, 0:H2] + q[:, H2:2 * H2] + q[:, 2 * H2:3 * H2]
            + q[:, 3 * H2:4 * H2])


def _mid_body(x_ref, a_ref, sel_ref, r1_ref, b1_ref, w2_ref, r2_ref, b2_ref,
              y2_ref, z2_ref):
    sel = sel_ref[...]
    msg = _fold_msg(a_ref[0] + a_ref[1], sel)
    h1 = jax.nn.relu(
        jnp.dot(x_ref[...], r1_ref[...], preferred_element_type=jnp.float32)
        + b1_ref[...] + msg)
    y2_ref[...] = jnp.dot(h1, w2_ref[...], preferred_element_type=jnp.float32)
    z2_ref[...] = (jnp.dot(h1, r2_ref[...], preferred_element_type=jnp.float32)
                   + b2_ref[...])


def _mid_layer(x, acc1p, sel, r1p, b1p, W2cat, r2cat, b2t):
    return pl.pallas_call(
        _mid_body,
        grid=(NGRID,),
        in_specs=[
            pl.BlockSpec((NB, D), lambda i: (i, 0)),
            pl.BlockSpec((NCORE, NB, LW), lambda i: (0, i, 0)),
            pl.BlockSpec((LW, LW), lambda i: (0, 0)),
            pl.BlockSpec((D, H2), lambda i: (0, 0)),
            pl.BlockSpec((1, H2), lambda i: (0, 0)),
            pl.BlockSpec((H2, LW), lambda i: (0, 0)),
            pl.BlockSpec((H2, LW), lambda i: (0, 0)),
            pl.BlockSpec((1, LW), lambda i: (0, 0)),
        ],
        out_specs=[
            pl.BlockSpec((NB, LW), lambda i: (i, 0)),
            pl.BlockSpec((NB, LW), lambda i: (i, 0)),
        ],
        out_shape=[
            jax.ShapeDtypeStruct((N, LW), jnp.float32),
            jax.ShapeDtypeStruct((N, LW), jnp.float32),
        ],
    )(x, acc1p, sel, r1p, b1p, W2cat, r2cat, b2t)


def _final_body(z_ref, a2_ref, a1_ref, sel_ref, b_ref, wl1_ref, bl1_ref,
                wl2_ref, bl2_ref, o_ref, p_ref):
    i = pl.program_id(0)
    sel = sel_ref[...]
    ap = a2_ref[0] + a2_ref[1]
    cb = jnp.dot(a1_ref[0] + a1_ref[1], sel,
                 preferred_element_type=jnp.float32)
    q = ap / jnp.maximum(cb, 1.0)
    msg = (q[:, 0:H2] + q[:, H2:2 * H2] + q[:, 2 * H2:3 * H2]
           + q[:, 3 * H2:4 * H2])
    h2 = jax.nn.relu(z_ref[:, 0:H2] + msg)

    @pl.when(i == 0)
    def _():
        p_ref[...] = jnp.zeros((G, H2), jnp.float32)

    b = b_ref[...]
    gmin = b_ref[0, 0]
    gmax = b_ref[NB - 1, 0]

    def pool(g, carry):
        v = jnp.max(jnp.where(b == g, h2, 0.0), axis=0, keepdims=True)
        p_ref[pl.ds(g, 1), :] = jnp.maximum(p_ref[pl.ds(g, 1), :], v)
        return carry

    lax.fori_loop(gmin, gmax + 1, pool, 0)

    @pl.when(i == NGRID - 1)
    def _():
        p = p_ref[...]
        hh = jax.nn.relu(
            jnp.dot(p, wl1_ref[...], preferred_element_type=jnp.float32)
            + bl1_ref[...])
        o_ref[...] = (jnp.dot(hh, wl2_ref[...], preferred_element_type=jnp.float32)
                      + bl2_ref[...])


def _final_layer(z2, acc2p, acc1p, sel, batch2d, Wl1, bl1, Wl2, bl2):
    return pl.pallas_call(
        _final_body,
        grid=(NGRID,),
        in_specs=[
            pl.BlockSpec((NB, LW), lambda i: (i, 0)),
            pl.BlockSpec((NCORE, NB, LW), lambda i: (0, i, 0)),
            pl.BlockSpec((NCORE, NB, LW), lambda i: (0, i, 0)),
            pl.BlockSpec((LW, LW), lambda i: (0, 0)),
            pl.BlockSpec((NB, 1), lambda i: (i, 0)),
            pl.BlockSpec((H2, H1), lambda i: (0, 0)),
            pl.BlockSpec((1, H1), lambda i: (0, 0)),
            pl.BlockSpec((H1, C), lambda i: (0, 0)),
            pl.BlockSpec((1, C), lambda i: (0, 0)),
        ],
        out_specs=pl.BlockSpec((G, C), lambda i: (0, 0)),
        out_shape=jax.ShapeDtypeStruct((G, C), jnp.float32),
        scratch_shapes=[pltpu.VMEM((G, H2), jnp.float32)],
    )(z2, acc2p, acc1p, sel, batch2d, Wl1, bl1, Wl2, bl2)


def kernel(x, edge_index, edge_attr, batch, W1, root1, b1, W2, root2, b2,
           Wl1, bl1, Wl2, bl2):
    ei3 = edge_index.astype(jnp.int32).reshape(2, EROWS, EB)
    t3 = edge_attr.astype(jnp.int32).reshape(EROWS, EB)
    g3, s3 = _edge_indices(ei3, t3)
    gidx = g3.reshape(NW, NBLK, EB)
    sidx = s3.reshape(NW, NBLK, EB)

    zeros32 = jnp.zeros((RNP, H2), jnp.float32)
    sel = jnp.asarray(_selnp)
    cvec = jnp.asarray(_cvnp)

    zc = jnp.zeros((D, H2 - H1), jnp.float32)
    W1cat = jnp.concatenate(
        [jnp.concatenate([W1[r], zc], axis=-1) for r in range(R)], axis=-1)
    r1p = jnp.concatenate([root1, zc], axis=-1)
    b1p = jnp.concatenate([b1, jnp.zeros((H1,), jnp.float32)]).reshape(1, H2)
    zr = jnp.zeros((H2 - H1, H2), jnp.float32)
    W2cat = jnp.concatenate(
        [jnp.concatenate([W2[r], zr], axis=0) for r in range(R)], axis=-1)
    r2cat = jnp.tile(jnp.concatenate([root2, zr], axis=0), (1, R))
    b2t = jnp.tile(b2, R).reshape(1, LW)

    y1 = _relation_matmul(x, W1cat, cvec).reshape(RN, H2)
    (acc1,) = _edge_scatter(y1, gidx, sidx, zeros32)
    acc1p = acc1.reshape(NCORE, RNP4, LW)

    y2, z2 = _mid_layer(x, acc1p, sel, r1p, b1p, W2cat, r2cat, b2t)
    (acc2,) = _edge_scatter(y2.reshape(RN, H2), gidx, sidx, zeros32)
    acc2p = acc2.reshape(NCORE, RNP4, LW)

    batch2d = batch.astype(jnp.int32).reshape(N, 1)
    return _final_layer(z2, acc2p, acc1p, sel, batch2d, Wl1,
                        bl1.reshape(1, H1), Wl2, bl2.reshape(1, C))

# --- scband reference (transcript-rebuilt; emitter-appended) ---
"""Pipeline reference for scband-gcnmodel-15470472200798 (READ-ONLY COPY).

The authoritative reference and input builder live on the scoring server;
editing this copy changes nothing except your own understanding.
"""

import jax, jax.numpy as jnp
import numpy as np

N = 10000
E = 320000
D = 128
R = 4
MULT = 2
H1 = 8 * MULT
H2 = 16 * MULT
C = 8
G = 64


def _rgcn(x, src, dst, edge_type, W, W_root, b):
    # PyG RGCNConv with default mean aggregation per relation:
    # out_i = x_i @ W_root + b + sum_r mean_{j in N_r(i)} x_j @ W_r
    n = x.shape[0]
    out = x @ W_root + b
    xs = x[src]  # gather source node features per edge
    for r in range(R):
        m = (edge_type == r).astype(x.dtype)
        agg = jnp.zeros((n, x.shape[1]), x.dtype).at[dst].add(xs * m[:, None])
        cnt = jnp.zeros((n,), x.dtype).at[dst].add(m)
        agg = agg / jnp.clip(cnt, 1.0, None)[:, None]
        out = out + agg @ W[r]
    return out


def setup_inputs(seed: int = 0) -> dict:
    key = jax.random.key(seed)
    ks = jax.random.split(key, 14)
    x = jax.random.normal(ks[0], (N, D), jnp.float32)
    edge_index = jax.random.randint(ks[1], (2, E), 0, N).astype(jnp.int64)
    edge_attr = jax.random.randint(ks[2], (E, 1), 0, R).astype(jnp.int64)
    batch = jnp.sort(jax.random.randint(ks[3], (N,), 0, G)).astype(jnp.int64)
    s = 0.05
    W1 = jax.random.normal(ks[4], (R, D, H1), jnp.float32) * s
    root1 = jax.random.normal(ks[5], (D, H1), jnp.float32) * s
    b1 = jnp.zeros((H1,), jnp.float32)
    W2 = jax.random.normal(ks[6], (R, H1, H2), jnp.float32) * s
    root2 = jax.random.normal(ks[7], (H1, H2), jnp.float32) * s
    b2 = jnp.zeros((H2,), jnp.float32)
    Wl1 = jax.random.normal(ks[8], (H2, H1), jnp.float32) * s
    bl1 = jnp.zeros((H1,), jnp.float32)
    Wl2 = jax.random.normal(ks[9], (H1, C), jnp.float32) * s
    bl2 = jnp.zeros((C,), jnp.float32)
    return {"x": x, "edge_index": edge_index, "edge_attr": edge_attr, "batch": batch,
            "W1": W1, "root1": root1, "b1": b1,
            "W2": W2, "root2": root2, "b2": b2,
            "Wl1": Wl1, "bl1": bl1, "Wl2": Wl2, "bl2": bl2}


def reference(x, edge_index, edge_attr, batch, W1, root1, b1, W2, root2, b2, Wl1, bl1, Wl2, bl2):
    src = edge_index[0]
    dst = edge_index[1]
    edge_type = edge_attr[:, 0]
    h = jax.nn.relu(_rgcn(x, src, dst, edge_type, W1, root1, b1))
    h = jax.nn.relu(_rgcn(h, src, dst, edge_type, W2, root2, b2))
    # global_max_pool over graph assignment ids (note: self.batchnorm is unused in the torch forward)
    p = jax.ops.segment_max(h, batch, num_segments=G)
    p = jnp.where(jnp.isfinite(p), p, 0.0)
    h = jax.nn.relu(p @ Wl1 + bl1)
    return h @ Wl2 + bl2

if __name__ == "__main__":
    import jax
    _d = setup_inputs()
    print(jax.jit(kernel)(*tuple(_d.values())))

</pallas_src>

<mosaic_0001>
#map = affine_map<(d0, d1) -> (0, 0)>
#map1 = affine_map<(d0, d1) -> (0, 0, 0)>
module attributes {stable_mosaic.version = 14 : i64} {
  func.func @body(%arg0: i32, %arg1: i32, %arg2: memref<40000x32xf32, #tpu.memory_space<hbm>>, %arg3: memref<32x80x128xi32, #tpu.memory_space<hbm>>, %arg4: memref<32x80x128xi32, #tpu.memory_space<hbm>>, %arg5: memref<40064x32xf32, #tpu.memory_space<hbm>>, %arg6: memref<2x40064x32xf32, #tpu.memory_space<hbm>>, %arg7: memref<40064x32xf32, #tpu.memory_space<vmem_shared>>, %arg8: memref<80x128xi32, #tpu.memory_space<vmem>>, %arg9: memref<80x128xi32, #tpu.memory_space<vmem>>, %arg10: memref<128x32xf32, #tpu.memory_space<vmem>>, %arg11: memref<128x32xf32, #tpu.memory_space<vmem>>, %arg12: memref<128x32xf32, #tpu.memory_space<vmem>>, %arg13: memref<128x32xf32, #tpu.memory_space<vmem>>, %arg14: memref<128x32xf32, #tpu.memory_space<vmem>>, %arg15: memref<5x!tpu.dma_semaphore, #tpu.memory_space<semaphore_mem>>, %arg16: memref<5x!tpu.dma_semaphore, #tpu.memory_space<semaphore_mem>>) attributes {dimension_semantics = [#tpu.dimension_semantics<core_parallel>, #tpu.dimension_semantics<subcore_parallel>], iteration_bounds = array<i64: 2, 16>, scalar_prefetch = 0 : i64, scratch_operands = 10 : i64, tpu.core_type = #tpu.core_type<sc_vector_subcore>, window_params = [{transform_indices = #map}, {transform_indices = #map1}, {transform_indices = #map1}, {transform_indices = #map}, {transform_indices = #map1}]} {
    %mul3A = arith.constant 16 : i32
    %mul3A_0 = arith.muli %arg0, %mul3A : i32
    %add3A = arith.addi %mul3A_0, %arg1 : i32
    %mul3A_1 = arith.constant 2504 : i32
    %mul3A_2 = arith.muli %arg1, %mul3A_1 : i32
    "tpu.region"() ({
      %run_scoped3A = tpu.sem_alloc : memref<!tpu.dma_semaphore, #tpu.memory_space<semaphore_mem>>
      %dma_start3A_58 = arith.constant 0 : i32
      %dma_start3A_59 = arith.constant 0 : i32
      %dma_start3A_60 = tpu.memref_slice %arg3[%add3A, %dma_start3A_58, %dma_start3A_59] : memref<32x80x128xi32, #tpu.memory_space<hbm>> -> memref<1x80x128xi32, #tpu.memory_space<hbm>>
      %dma_start3A_61 = tpu.memref_squeeze %dma_start3A_60 : memref<1x80x128xi32, #tpu.memory_space<hbm>> -> memref<80x128xi32, #tpu.memory_space<hbm>>
      %dma_start3A_62 = arith.constant 0 : i32
      %dma_start3A_63 = arith.constant 0 : i32
      %dma_start3A_64 = tpu.memref_slice %arg3[%add3A, %dma_start3A_62, %dma_start3A_63] : memref<32x80x128xi32, #tpu.memory_space<hbm>> -> memref<1x80x128xi32, #tpu.memory_space<hbm>>
      %dma_start3A_65 = tpu.memref_squeeze %dma_start3A_64 : memref<1x80x128xi32, #tpu.memory_space<hbm>> -> memref<80x128xi32, #tpu.memory_space<hbm>>
      tpu.enqueue_dma source(%dma_start3A_65 : memref<80x128xi32, #tpu.memory_space<hbm>>) target(%arg8 : memref<80x128xi32, #tpu.memory_space<vmem>>) target_semaphore(%run_scoped3A : memref<!tpu.dma_semaphore, #tpu.memory_space<semaphore_mem>>)
      %dma_wait3A = arith.constant 0 : i32
      %dma_wait3A_66 = arith.constant 0 : i32
      %dma_wait3A_67 = tpu.memref_slice %arg3[%add3A, %dma_wait3A, %dma_wait3A_66] : memref<32x80x128xi32, #tpu.memory_space<hbm>> -> memref<1x80x128xi32, #tpu.memory_space<hbm>>
      %dma_wait3A_68 = tpu.memref_squeeze %dma_wait3A_67 : memref<1x80x128xi32, #tpu.memory_space<hbm>> -> memref<80x128xi32, #tpu.memory_space<hbm>>
      %dma_wait3A_69 = arith.constant 0 : i32
      %dma_wait3A_70 = arith.constant 0 : i32
      %dma_wait3A_71 = tpu.memref_slice %arg3[%add3A, %dma_wait3A_69, %dma_wait3A_70] : memref<32x80x128xi32, #tpu.memory_space<hbm>> -> memref<1x80x128xi32, #tpu.memory_space<hbm>>
      %dma_wait3A_72 = tpu.memref_squeeze %dma_wait3A_71 : memref<1x80x128xi32, #tpu.memory_space<hbm>> -> memref<80x128xi32, #tpu.memory_space<hbm>>
      tpu.wait_dma2 semaphore(%run_scoped3A : memref<!tpu.dma_semaphore, #tpu.memory_space<semaphore_mem>>) src(%dma_wait3A_72 : memref<80x128xi32, #tpu.memory_space<hbm>>) dst(%arg8 : memref<80x128xi32, #tpu.memory_space<vmem>>)
      tpu.yield
    }) : () -> ()
    "tpu.region"() ({
      %run_scoped3A = tpu.sem_alloc : memref<!tpu.dma_semaphore, #tpu.memory_space<semaphore_mem>>
      %dma_start3A_58 = arith.constant 0 : i32
      %dma_start3A_59 = arith.constant 0 : i32
      %dma_start3A_60 = tpu.memref_slice %arg4[%add3A, %dma_start3A_58, %dma_start3A_59] : memref<32x80x128xi32, #tpu.memory_space<hbm>> -> memref<1x80x128xi32, #tpu.memory_space<hbm>>
      %dma_start3A_61 = tpu.memref_squeeze %dma_start3A_60 : memref<1x80x128xi32, #tpu.memory_space<hbm>> -> memref<80x128xi32, #tpu.memory_space<hbm>>
      %dma_start3A_62 = arith.constant 0 : i32
      %dma_start3A_63 = arith.constant 0 : i32
      %dma_start3A_64 = tpu.memref_slice %arg4[%add3A, %dma_start3A_62, %dma_start3A_63] : memref<32x80x128xi32, #tpu.memory_space<hbm>> -> memref<1x80x128xi32, #tpu.memory_space<hbm>>
      %dma_start3A_65 = tpu.memref_squeeze %dma_start3A_64 : memref<1x80x128xi32, #tpu.memory_space<hbm>> -> memref<80x128xi32, #tpu.memory_space<hbm>>
      tpu.enqueue_dma source(%dma_start3A_65 : memref<80x128xi32, #tpu.memory_space<hbm>>) target(%arg9 : memref<80x128xi32, #tpu.memory_space<vmem>>) target_semaphore(%run_scoped3A : memref<!tpu.dma_semaphore, #tpu.memory_space<semaphore_mem>>)
      %dma_wait3A = arith.constant 0 : i32
      %dma_wait3A_66 = arith.constant 0 : i32
      %dma_wait3A_67 = tpu.memref_slice %arg4[%add3A, %dma_wait3A, %dma_wait3A_66] : memref<32x80x128xi32, #tpu.memory_space<hbm>> -> memref<1x80x128xi32, #tpu.memory_space<hbm>>
      %dma_wait3A_68 = tpu.memref_squeeze %dma_wait3A_67 : memref<1x80x128xi32, #tpu.memory_space<hbm>> -> memref<80x128xi32, #tpu.memory_space<hbm>>
      %dma_wait3A_69 = arith.constant 0 : i32
      %dma_wait3A_70 = arith.constant 0 : i32
      %dma_wait3A_71 = tpu.memref_slice %arg4[%add3A, %dma_wait3A_69, %dma_wait3A_70] : memref<32x80x128xi32, #tpu.memory_space<hbm>> -> memref<1x80x128xi32, #tpu.memory_space<hbm>>
      %dma_wait3A_72 = tpu.memref_squeeze %dma_wait3A_71 : memref<1x80x128xi32, #tpu.memory_space<hbm>> -> memref<80x128xi32, #tpu.memory_space<hbm>>
      tpu.wait_dma2 semaphore(%run_scoped3A : memref<!tpu.dma_semaphore, #tpu.memory_space<semaphore_mem>>) src(%dma_wait3A_72 : memref<80x128xi32, #tpu.memory_space<hbm>>) dst(%arg9 : memref<80x128xi32, #tpu.memory_space<vmem>>)
      tpu.yield
    }) : () -> ()
    "tpu.region"() ({
      %run_scoped3A = tpu.sem_alloc : memref<!tpu.dma_semaphore, #tpu.memory_space<semaphore_mem>>
      %dma_start3A_58 = arith.constant 0 : i32
      %dma_start3A_59 = tpu.memref_slice %arg7[%mul3A_2, %dma_start3A_58] : memref<40064x32xf32, #tpu.memory_space<vmem_shared>> -> memref<2504x32xf32, #tpu.memory_space<vmem_shared>>
      %dma_start3A_60 = arith.constant 0 : i32
      %dma_start3A_61 = tpu.memref_slice %arg5[%mul3A_2, %dma_start3A_60] : memref<40064x32xf32, #tpu.memory_space<hbm>> -> memref<2504x32xf32, #tpu.memory_space<hbm>>
      tpu.enqueue_dma source(%dma_start3A_61 : memref<2504x32xf32, #tpu.memory_space<hbm>>) target(%dma_start3A_59 : memref<2504x32xf32, #tpu.memory_space<vmem_shared>>) target_semaphore(%run_scoped3A : memref<!tpu.dma_semaphore, #tpu.memory_space<semaphore_mem>>)
      %dma_wait3A = arith.constant 0 : i32
      %dma_wait3A_62 = tpu.memref_slice %arg7[%mul3A_2, %dma_wait3A] : memref<40064x32xf32, #tpu.memory_space<vmem_shared>> -> memref<2504x32xf32, #tpu.memory_space<vmem_shared>>
      %dma_wait3A_63 = arith.constant 0 : i32
      %dma_wait3A_64 = tpu.memref_slice %arg5[%mul3A_2, %dma_wait3A_63] : memref<40064x32xf32, #tpu.memory_space<hbm>> -> memref<2504x32xf32, #tpu.memory_space<hbm>>
      tpu.wait_dma2 semaphore(%run_scoped3A : memref<!tpu.dma_semaphore, #tpu.memory_space<semaphore_mem>>) src(%dma_wait3A_64 : memref<2504x32xf32, #tpu.memory_space<hbm>>) dst(%dma_wait3A_62 : memref<2504x32xf32, #tpu.memory_space<vmem_shared>>)
      tpu.yield
    }) : () -> ()
    %barrier3A = arith.constant 0 : index
    tpu.barrier barrier_id(%barrier3A)
    %dma_start3A = arith.constant 0 : i32
    %dma_start3A_3 = arith.constant 0 : i32
    %dma_start3A_4 = arith.constant 0 : i32
    %dma_start3A_5 = tpu.memref_slice %arg8[%dma_start3A, %dma_start3A_4] : memref<80x128xi32, #tpu.memory_space<vmem>> -> memref<1x128xi32, #tpu.memory_space<vmem>>
    %dma_start3A_6 = tpu.memref_squeeze %dma_start3A_5 : memref<1x128xi32, #tpu.memory_space<vmem>> -> memref<128xi32, #tpu.memory_space<vmem>>
    %dma_start3A_7 = arith.constant 0 : i32
    %dma_start3A_8 = arith.constant 0 : i32
    %dma_start3A_9 = tpu.memref_slice %arg2[%dma_start3A_7, %dma_start3A_8] : memref<40000x32xf32, #tpu.memory_space<hbm>> -> memref<40000x32xf32, #tpu.memory_space<hbm>>
    %dma_start3A_10 = tpu.memref_slice %arg15[%dma_start3A_3] : memref<5x!tpu.dma_semaphore, #tpu.memory_space<semaphore_mem>> -> memref<1x!tpu.dma_semaphore, #tpu.memory_space<semaphore_mem>>
    %dma_start3A_11 = tpu.memref_squeeze %dma_start3A_10 : memref<1x!tpu.dma_semaphore, #tpu.memory_space<semaphore_mem>> -> memref<!tpu.dma_semaphore, #tpu.memory_space<semaphore_mem>>
    tpu.enqueue_indirect_dma source(%dma_start3A_9 : memref<40000x32xf32, #tpu.memory_space<hbm>>) target(%arg10 : memref<128x32xf32, #tpu.memory_space<vmem>>) offsets(%dma_start3A_6 : memref<128xi32, #tpu.memory_space<vmem>>) semaphore(%dma_start3A_11 : memref<!tpu.dma_semaphore, #tpu.memory_space<semaphore_mem>>)
    %dma_start3A_12 = arith.constant 1 : i32
    %dma_start3A_13 = arith.constant 1 : i32
    %dma_start3A_14 = arith.constant 0 : i32
    %dma_start3A_15 = tpu.memref_slice %arg8[%dma_start3A_12, %dma_start3A_14] : memref<80x128xi32, #tpu.memory_space<vmem>> -> memref<1x128xi32, #tpu.memory_space<vmem>>
    %dma_start3A_16 = tpu.memref_squeeze %dma_start3A_15 : memref<1x128xi32, #tpu.memory_space<vmem>> -> memref<128xi32, #tpu.memory_space<vmem>>
    %dma_start3A_17 = arith.constant 0 : i32
    %dma_start3A_18 = arith.constant 0 : i32
    %dma_start3A_19 = tpu.memref_slice %arg2[%dma_start3A_17, %dma_start3A_18] : memref<40000x32xf32, #tpu.memory_space<hbm>> -> memref<40000x32xf32, #tpu.memory_space<hbm>>
    %dma_start3A_20 = tpu.memref_slice %arg15[%dma_start3A_13] : memref<5x!tpu.dma_semaphore, #tpu.memory_space<semaphore_mem>> -> memref<1x!tpu.dma_semaphore, #tpu.memory_space<semaphore_mem>>
    %dma_start3A_21 = tpu.memref_squeeze %dma_start3A_20 : memref<1x!tpu.dma_semaphore, #tpu.memory_space<semaphore_mem>> -> memref<!tpu.dma_semaphore, #tpu.memory_space<semaphore_mem>>
    tpu.enqueue_indirect_dma source(%dma_start3A_19 : memref<40000x32xf32, #tpu.memory_space<hbm>>) target(%arg11 : memref<128x32xf32, #tpu.memory_space<vmem>>) offsets(%dma_start3A_16 : memref<128xi32, #tpu.memory_space<vmem>>) semaphore(%dma_start3A_21 : memref<!tpu.dma_semaphore, #tpu.memory_space<semaphore_mem>>)
    %dma_start3A_22 = arith.constant 2 : i32
    %dma_start3A_23 = arith.constant 2 : i32
    %dma_start3A_24 = arith.constant 0 : i32
    %dma_start3A_25 = tpu.memref_slice %arg8[%dma_start3A_22, %dma_start3A_24] : memref<80x128xi32, #tpu.memory_space<vmem>> -> memref<1x128xi32, #tpu.memory_space<vmem>>
    %dma_start3A_26 = tpu.memref_squeeze %dma_start3A_25 : memref<1x128xi32, #tpu.memory_space<vmem>> -> memref<128xi32, #tpu.memory_space<vmem>>
    %dma_start3A_27 = arith.constant 0 : i32
    %dma_start3A_28 = arith.constant 0 : i32
    %dma_start3A_29 = tpu.memref_slice %arg2[%dma_start3A_27, %dma_start3A_28] : memref<40000x32xf32, #tpu.memory_space<hbm>> -> memref<40000x32xf32, #tpu.memory_space<hbm>>
    %dma_start3A_30 = tpu.memref_slice %arg15[%dma_start3A_23] : memref<5x!tpu.dma_semaphore, #tpu.memory_space<semaphore_mem>> -> memref<1x!tpu.dma_semaphore, #tpu.memory_space<semaphore_mem>>
    %dma_start3A_31 = tpu.memref_squeeze %dma_start3A_30 : memref<1x!tpu.dma_semaphore, #tpu.memory_space<semaphore_mem>> -> memref<!tpu.dma_semaphore, #tpu.memory_space<semaphore_mem>>
    tpu.enqueue_indirect_dma source(%dma_start3A_29 : memref<40000x32xf32, #tpu.memory_space<hbm>>) target(%arg12 : memref<128x32xf32, #tpu.memory_space<vmem>>) offsets(%dma_start3A_26 : memref<128xi32, #tpu.memory_space<vmem>>) semaphore(%dma_start3A_31 : memref<!tpu.dma_semaphore, #tpu.memory_space<semaphore_mem>>)
    %dma_start3A_32 = arith.constant 3 : i32
    %dma_start3A_33 = arith.constant 3 : i32
    %dma_start3A_34 = arith.constant 0 : i32
    %dma_start3A_35 = tpu.memref_slice %arg8[%dma_start3A_32, %dma_start3A_34] : memref<80x128xi32, #tpu.memory_space<vmem>> -> memref<1x128xi32, #tpu.memory_space<vmem>>
    %dma_start3A_36 = tpu.memref_squeeze %dma_start3A_35 : memref<1x128xi32, #tpu.memory_space<vmem>> -> memref<128xi32, #tpu.memory_space<vmem>>
    %dma_start3A_37 = arith.constant 0 : i32
    %dma_start3A_38 = arith.constant 0 : i32
    %dma_start3A_39 = tpu.memref_slice %arg2[%dma_start3A_37, %dma_start3A_38] : memref<40000x32xf32, #tpu.memory_space<hbm>> -> memref<40000x32xf32, #tpu.memory_space<hbm>>
    %dma_start3A_40 = tpu.memref_slice %arg15[%dma_start3A_33] : memref<5x!tpu.dma_semaphore, #tpu.memory_space<semaphore_mem>> -> memref<1x!tpu.dma_semaphore, #tpu.memory_space<semaphore_mem>>
    %dma_start3A_41 = tpu.memref_squeeze %dma_start3A_40 : memref<1x!tpu.dma_semaphore, #tpu.memory_space<semaphore_mem>> -> memref<!tpu.dma_semaphore, #tpu.memory_space<semaphore_mem>>
    tpu.enqueue_indirect_dma source(%dma_start3A_39 : memref<40000x32xf32, #tpu.memory_space<hbm>>) target(%arg13 : memref<128x32xf32, #tpu.memory_space<vmem>>) offsets(%dma_start3A_36 : memref<128xi32, #tpu.memory_space<vmem>>) semaphore(%dma_start3A_41 : memref<!tpu.dma_semaphore, #tpu.memory_space<semaphore_mem>>)
    %dma_start3A_42 = arith.constant 4 : i32
    %dma_start3A_43 = arith.constant 4 : i32
    %dma_start3A_44 = arith.constant 0 : i32
    %dma_start3A_45 = tpu.memref_slice %arg8[%dma_start3A_42, %dma_start3A_44] : memref<80x128xi32, #tpu.memory_space<vmem>> -> memref<1x128xi32, #tpu.memory_space<vmem>>
    %dma_start3A_46 = tpu.memref_squeeze %dma_start3A_45 : memref<1x128xi32, #tpu.memory_space<vmem>> -> memref<128xi32, #tpu.memory_space<vmem>>
    %dma_start3A_47 = arith.constant 0 : i32
    %dma_start3A_48 = arith.constant 0 : i32
    %dma_start3A_49 = tpu.memref_slice %arg2[%dma_start3A_47, %dma_start3A_48] : memref<40000x32xf32, #tpu.memory_space<hbm>> -> memref<40000x32xf32, #tpu.memory_space<hbm>>
    %dma_start3A_50 = tpu.memref_slice %arg15[%dma_start3A_43] : memref<5x!tpu.dma_semaphore, #tpu.memory_space<semaphore_mem>> -> memref<1x!tpu.dma_semaphore, #tpu.memory_space<semaphore_mem>>
    %dma_start3A_51 = tpu.memref_squeeze %dma_start3A_50 : memref<1x!tpu.dma_semaphore, #tpu.memory_space<semaphore_mem>> -> memref<!tpu.dma_semaphore, #tpu.memory_space<semaphore_mem>>
    tpu.enqueue_indirect_dma source(%dma_start3A_49 : memref<40000x32xf32, #tpu.memory_space<hbm>>) target(%arg14 : memref<128x32xf32, #tpu.memory_space<vmem>>) offsets(%dma_start3A_46 : memref<128xi32, #tpu.memory_space<vmem>>) semaphore(%dma_start3A_51 : memref<!tpu.dma_semaphore, #tpu.memory_space<semaphore_mem>>)
    %scan3A = arith.constant 0 : i32
    %scan3A_52 = arith.constant 0 : i32
    %scan3A_53 = arith.constant 16 : i32
    %scan3A_54 = arith.addi %scan3A_52, %scan3A_53 : i32
    %scan3A_55 = arith.constant 1 : i32
    scf.for %scan3A_58 = %scan3A_52 to %scan3A_54 step %scan3A_55  : i32 {
      %mul3A_59 = arith.constant 5 : i32
      %mul3A_60 = arith.muli %scan3A_58, %mul3A_59 : i32
      %add3A_61 = arith.constant 0 : i32
      %add3A_62 = arith.addi %mul3A_60, %add3A_61 : i32
      %dma_wait3A = arith.constant 0 : i32
      %dma_wait3A_63 = arith.constant 0 : i32
      %dma_wait3A_64 = tpu.memref_slice %arg8[%add3A_62, %dma_wait3A_63] : memref<80x128xi32, #tpu.memory_space<vmem>> -> memref<1x128xi32, #tpu.memory_space<vmem>>
      %dma_wait3A_65 = tpu.memref_squeeze %dma_wait3A_64 : memref<1x128xi32, #tpu.memory_space<vmem>> -> memref<128xi32, #tpu.memory_space<vmem>>
      %dma_wait3A_66 = arith.constant 0 : i32
      %dma_wait3A_67 = arith.constant 0 : i32
      %dma_wait3A_68 = tpu.memref_slice %arg2[%dma_wait3A_66, %dma_wait3A_67] : memref<40000x32xf32, #tpu.memory_space<hbm>> -> memref<40000x32xf32, #tpu.memory_space<hbm>>
      %dma_wait3A_69 = tpu.memref_slice %arg15[%dma_wait3A] : memref<5x!tpu.dma_semaphore, #tpu.memory_space<semaphore_mem>> -> memref<1x!tpu.dma_semaphore, #tpu.memory_space<semaphore_mem>>
      %dma_wait3A_70 = tpu.memref_squeeze %dma_wait3A_69 : memref<1x!tpu.dma_semaphore, #tpu.memory_space<semaphore_mem>> -> memref<!tpu.dma_semaphore, #tpu.memory_space<semaphore_mem>>
      tpu.wait_indirect_dma semaphore(%dma_wait3A_70 : memref<!tpu.dma_semaphore, #tpu.memory_space<semaphore_mem>>) src(%dma_wait3A_68 : memref<40000x32xf32, #tpu.memory_space<hbm>>) dst(%arg10 : memref<128x32xf32, #tpu.memory_space<vmem>>)
      %dma_start3A_71 = arith.constant 0 : i32
      %dma_start3A_72 = arith.constant 0 : i32
      %dma_start3A_73 = tpu.memref_slice %arg9[%add3A_62, %dma_start3A_72] : memref<80x128xi32, #tpu.memory_space<vmem>> -> memref<1x128xi32, #tpu.memory_space<vmem>>
      %dma_start3A_74 = tpu.memref_squeeze %dma_start3A_73 : memref<1x128xi32, #tpu.memory_space<vmem>> -> memref<128xi32, #tpu.memory_space<vmem>>
      %dma_start3A_75 = arith.constant 0 : i32
      %dma_start3A_76 = arith.constant 0 : i32
      %dma_start3A_77 = tpu.memref_slice %arg7[%dma_start3A_75, %dma_start3A_76] : memref<40064x32xf32, #tpu.memory_space<vmem_shared>> -> memref<40064x32xf32, #tpu.memory_space<vmem_shared>>
      %dma_start3A_78 = tpu.memref_slice %arg16[%dma_start3A_71] : memref<5x!tpu.dma_semaphore, #tpu.memory_space<semaphore_mem>> -> memref<1x!tpu.dma_semaphore, #tpu.memory_space<semaphore_mem>>
      %dma_start3A_79 = tpu.memref_squeeze %dma_start3A_78 : memref<1x!tpu.dma_semaphore, #tpu.memory_space<semaphore_mem>> -> memref<!tpu.dma_semaphore, #tpu.memory_space<semaphore_mem>>
      tpu.enqueue_indirect_dma source(%arg10 : memref<128x32xf32, #tpu.memory_space<vmem>>) target(%dma_start3A_77 : memref<40064x32xf32, #tpu.memory_space<vmem_shared>>) offsets(%dma_start3A_74 : memref<128xi32, #tpu.memory_space<vmem>>) semaphore(%dma_start3A_79 : memref<!tpu.dma_semaphore, #tpu.memory_space<semaphore_mem>>) {add = true}
      %mul3A_80 = arith.constant 5 : i32
      %mul3A_81 = arith.muli %scan3A_58, %mul3A_80 : i32
      %add3A_82 = arith.constant 1 : i32
      %add3A_83 = arith.addi %mul3A_81, %add3A_82 : i32
      %dma_wait3A_84 = arith.constant 1 : i32
      %dma_wait3A_85 = arith.constant 0 : i32
      %dma_wait3A_86 = tpu.memref_slice %arg8[%add3A_83, %dma_wait3A_85] : memref<80x128xi32, #tpu.memory_space<vmem>> -> memref<1x128xi32, #tpu.memory_space<vmem>>
      %dma_wait3A_87 = tpu.memref_squeeze %dma_wait3A_86 : memref<1x128xi32, #tpu.memory_space<vmem>> -> memref<128xi32, #tpu.memory_space<vmem>>
      %dma_wait3A_88 = arith.constant 0 : i32
      %dma_wait3A_89 = arith.constant 0 : i32
      %dma_wait3A_90 = tpu.memref_slice %arg2[%dma_wait3A_88, %dma_wait3A_89] : memref<40000x32xf32, #tpu.memory_space<hbm>> -> memref<40000x32xf32, #tpu.memory_space<hbm>>
      %dma_wait3A_91 = tpu.memref_slice %arg15[%dma_wait3A_84] : memref<5x!tpu.dma_semaphore, #tpu.memory_space<semaphore_mem>> -> memref<1x!tpu.dma_semaphore, #tpu.memory_space<semaphore_mem>>
      %dma_wait3A_92 = tpu.memref_squeeze %dma_wait3A_91 : memref<1x!tpu.dma_semaphore, #tpu.memory_space<semaphore_mem>> -> memref<!tpu.dma_semaphore, #tpu.memory_space<semaphore_mem>>
      tpu.wait_indirect_dma semaphore(%dma_wait3A_92 : memref<!tpu.dma_semaphore, #tpu.memory_space<semaphore_mem>>) src(%dma_wait3A_90 : memref<40000x32xf32, #tpu.memory_space<hbm>>) dst(%arg11 : memref<128x32xf32, #tpu.memory_space<vmem>>)
      %dma_start3A_93 = arith.constant 1 : i32
      %dma_start3A_94 = arith.constant 0 : i32
      %dma_start3A_95 = tpu.memref_slice %arg9[%add3A_83, %dma_start3A_94] : memref<80x128xi32, #tpu.memory_space<vmem>> -> memref<1x128xi32, #tpu.memory_space<vmem>>
      %dma_start3A_96 = tpu.memref_squeeze %dma_start3A_95 : memref<1x128xi32, #tpu.memory_space<vmem>> -> memref<128xi32, #tpu.memory_space<vmem>>
      %dma_start3A_97 = arith.constant 0 : i32
      %dma_start3A_98 = arith.constant 0 : i32
      %dma_start3A_99 = tpu.memref_slice %arg7[%dma_start3A_97, %dma_start3A_98] : memref<40064x32xf32, #tpu.memory_space<vmem_shared>> -> memref<40064x32xf32, #tpu.memory_space<vmem_shared>>
      %dma_start3A_100 = tpu.memref_slice %arg16[%dma_start3A_93] : memref<5x!tpu.dma_semaphore, #tpu.memory_space<semaphore_mem>> -> memref<1x!tpu.dma_semaphore, #tpu.memory_space<semaphore_mem>>
      %dma_start3A_101 = tpu.memref_squeeze %dma_start3A_100 : memref<1x!tpu.dma_semaphore, #tpu.memory_space<semaphore_mem>> -> memref<!tpu.dma_semaphore, #tpu.memory_space<semaphore_mem>>
      tpu.enqueue_indirect_dma source(%arg11 : memref<128x32xf32, #tpu.memory_space<vmem>>) target(%dma_start3A_99 : memref<40064x32xf32, #tpu.memory_space<vmem_shared>>) offsets(%dma_start3A_96 : memref<128xi32, #tpu.memory_space<vmem>>) semaphore(%dma_start3A_101 : memref<!tpu.dma_semaphore, #tpu.memory_space<semaphore_mem>>) {add = true}
      %mul3A_102 = arith.constant 5 : i32
      %mul3A_103 = arith.muli %scan3A_58, %mul3A_102 : i32
      %add3A_104 = arith.constant 2 : i32
      %add3A_105 = arith.addi %mul3A_103, %add3A_104 : i32
      %dma_wait3A_106 = arith.constant 2 : i32
      %dma_wait3A_107 = arith.constant 0 : i32
      %dma_wait3A_108 = tpu.memref_slice %arg8[%add3A_105, %dma_wait3A_107] : memref<80x128xi32, #tpu.memory_space<vmem>> -> memref<1x128xi32, #tpu.memory_space<vmem>>
      %dma_wait3A_109 = tpu.memref_squeeze %dma_wait3A_108 : memref<1x128xi32, #tpu.memory_space<vmem>> -> memref<128xi32, #tpu.memory_space<vmem>>
      %dma_wait3A_110 = arith.constant 0 : i32
      %dma_wait3A_111 = arith.constant 0 : i32
      %dma_wait3A_112 = tpu.memref_slice %arg2[%dma_wait3A_110, %dma_wait3A_111] : memref<40000x32xf32, #tpu.memory_space<hbm>> -> memref<40000x32xf32, #tpu.memory_space<hbm>>
      %dma_wait3A_113 = tpu.memref_slice %arg15[%dma_wait3A_106] : memref<5x!tpu.dma_semaphore, #tpu.memory_space<semaphore_mem>> -> memref<1x!tpu.dma_semaphore, #tpu.memory_space<semaphore_mem>>
      %dma_wait3A_114 = tpu.memref_squeeze %dma_wait3A_113 : memref<1x!tpu.dma_semaphore, #tpu.memory_space<semaphore_mem>> -> memref<!tpu.dma_semaphore, #tpu.memory_space<semaphore_mem>>
      tpu.wait_indirect_dma semaphore(%dma_wait3A_114 : memref<!tpu.dma_semaphore, #tpu.memory_space<semaphore_mem>>) src(%dma_wait3A_112 : memref<40000x32xf32, #tpu.memory_space<hbm>>) dst(%arg12 : memref<128x32xf32, #tpu.memory_space<vmem>>)
      %dma_start3A_115 = arith.constant 2 : i32
      %dma_start3A_116 = arith.constant 0 : i32
      %dma_start3A_117 = tpu.memref_slice %arg9[%add3A_105, %dma_start3A_116] : memref<80x128xi32, #tpu.memory_space<vmem>> -> memref<1x128xi32, #tpu.memory_space<vmem>>
      %dma_start3A_118 = tpu.memref_squeeze %dma_start3A_117 : memref<1x128xi32, #tpu.memory_space<vmem>> -> memref<128xi32, #tpu.memory_space<vmem>>
      %dma_start3A_119 = arith.constant 0 : i32
      %dma_start3A_120 = arith.constant 0 : i32
      %dma_start3A_121 = tpu.memref_slice %arg7[%dma_start3A_119, %dma_start3A_120] : memref<40064x32xf32, #tpu.memory_space<vmem_shared>> -> memref<40064x32xf32, #tpu.memory_space<vmem_shared>>
      %dma_start3A_122 = tpu.memref_slice %arg16[%dma_start3A_115] : memref<5x!tpu.dma_semaphore, #tpu.memory_space<semaphore_mem>> -> memref<1x!tpu.dma_semaphore, #tpu.memory_space<semaphore_mem>>
      %dma_start3A_123 = tpu.memref_squeeze %dma_start3A_122 : memref<1x!tpu.dma_semaphore, #tpu.memory_space<semaphore_mem>> -> memref<!tpu.dma_semaphore, #tpu.memory_space<semaphore_mem>>
      tpu.enqueue_indirect_dma source(%arg12 : memref<128x32xf32, #tpu.memory_space<vmem>>) target(%dma_start3A_121 : memref<40064x32xf32, #tpu.memory_space<vmem_shared>>) offsets(%dma_start3A_118 : memref<128xi32, #tpu.memory_space<vmem>>) semaphore(%dma_start3A_123 : memref<!tpu.dma_semaphore, #tpu.memory_space<semaphore_mem>>) {add = true}
      %mul3A_124 = arith.constant 5 : i32
      %mul3A_125 = arith.muli %scan3A_58, %mul3A_124 : i32
      %add3A_126 = arith.constant 3 : i32
      %add3A_127 = arith.addi %mul3A_125, %add3A_126 : i32
      %dma_wait3A_128 = arith.constant 3 : i32
      %dma_wait3A_129 = arith.constant 0 : i32
      %dma_wait3A_130 = tpu.memref_slice %arg8[%add3A_127, %dma_wait3A_129] : memref<80x128xi32, #tpu.memory_space<vmem>> -> memref<1x128xi32, #tpu.memory_space<vmem>>
      %dma_wait3A_131 = tpu.memref_squeeze %dma_wait3A_130 : memref<1x128xi32, #tpu.memory_space<vmem>> -> memref<128xi32, #tpu.memory_space<vmem>>
      %dma_wait3A_132 = arith.constant 0 : i32
      %dma_wait3A_133 = arith.constant 0 : i32
      %dma_wait3A_134 = tpu.memref_slice %arg2[%dma_wait3A_132, %dma_wait3A_133] : memref<40000x32xf32, #tpu.memory_space<hbm>> -> memref<40000x32xf32, #tpu.memory_space<hbm>>
      %dma_wait3A_135 = tpu.memref_slice %arg15[%dma_wait3A_128] : memref<5x!tpu.dma_semaphore, #tpu.memory_space<semaphore_mem>> -> memref<1x!tpu.dma_semaphore, #tpu.memory_space<semaphore_mem>>
      %dma_wait3A_136 = tpu.memref_squeeze %dma_wait3A_135 : memref<1x!tpu.dma_semaphore, #tpu.memory_space<semaphore_mem>> -> memref<!tpu.dma_semaphore, #tpu.memory_space<semaphore_mem>>
      tpu.wait_indirect_dma semaphore(%dma_wait3A_136 : memref<!tpu.dma_semaphore, #tpu.memory_space<semaphore_mem>>) src(%dma_wait3A_134 : memref<40000x32xf32, #tpu.memory_space<hbm>>) dst(%arg13 : memref<128x32xf32, #tpu.memory_space<vmem>>)
      %dma_start3A_137 = arith.constant 3 : i32
      %dma_start3A_138 = arith.constant 0 : i32
      %dma_start3A_139 = tpu.memref_slice %arg9[%add3A_127, %dma_start3A_138] : memref<80x128xi32, #tpu.memory_space<vmem>> -> memref<1x128xi32, #tpu.memory_space<vmem>>
      %dma_start3A_140 = tpu.memref_squeeze %dma_start3A_139 : memref<1x128xi32, #tpu.memory_space<vmem>> -> memref<128xi32, #tpu.memory_space<vmem>>
      %dma_start3A_141 = arith.constant 0 : i32
      %dma_start3A_142 = arith.constant 0 : i32
      %dma_start3A_143 = tpu.memref_slice %arg7[%dma_start3A_141, %dma_start3A_142] : memref<40064x32xf32, #tpu.memory_space<vmem_shared>> -> memref<40064x32xf32, #tpu.memory_space<vmem_shared>>
      %dma_start3A_144 = tpu.memref_slice %arg16[%dma_start3A_137] : memref<5x!tpu.dma_semaphore, #tpu.memory_space<semaphore_mem>> -> memref<1x!tpu.dma_semaphore, #tpu.memory_space<semaphore_mem>>
      %dma_start3A_145 = tpu.memref_squeeze %dma_start3A_144 : memref<1x!tpu.dma_semaphore, #tpu.memory_space<semaphore_mem>> -> memref<!tpu.dma_semaphore, #tpu.memory_space<semaphore_mem>>
      tpu.enqueue_indirect_dma source(%arg13 : memref<128x32xf32, #tpu.memory_space<vmem>>) target(%dma_start3A_143 : memref<40064x32xf32, #tpu.memory_space<vmem_shared>>) offsets(%dma_start3A_140 : memref<128xi32, #tpu.memory_space<vmem>>) semaphore(%dma_start3A_145 : memref<!tpu.dma_semaphore, #tpu.memory_space<semaphore_mem>>) {add = true}
      %mul3A_146 = arith.constant 5 : i32
      %mul3A_147 = arith.muli %scan3A_58, %mul3A_146 : i32
      %add3A_148 = arith.constant 4 : i32
      %add3A_149 = arith.addi %mul3A_147, %add3A_148 : i32
      %dma_wait3A_150 = arith.constant 4 : i32
      %dma_wait3A_151 = arith.constant 0 : i32
      %dma_wait3A_152 = tpu.memref_slice %arg8[%add3A_149, %dma_wait3A_151] : memref<80x128xi32, #tpu.memory_space<vmem>> -> memref<1x128xi32, #tpu.memory_space<vmem>>
      %dma_wait3A_153 = tpu.memref_squeeze %dma_wait3A_152 : memref<1x128xi32, #tpu.memory_space<vmem>> -> memref<128xi32, #tpu.memory_space<vmem>>
      %dma_wait3A_154 = arith.constant 0 : i32
      %dma_wait3A_155 = arith.constant 0 : i32
      %dma_wait3A_156 = tpu.memref_slice %arg2[%dma_wait3A_154, %dma_wait3A_155] : memref<40000x32xf32, #tpu.memory_space<hbm>> -> memref<40000x32xf32, #tpu.memory_space<hbm>>
      %dma_wait3A_157 = tpu.memref_slice %arg15[%dma_wait3A_150] : memref<5x!tpu.dma_semaphore, #tpu.memory_space<semaphore_mem>> -> memref<1x!tpu.dma_semaphore, #tpu.memory_space<semaphore_mem>>
      %dma_wait3A_158 = tpu.memref_squeeze %dma_wait3A_157 : memref<1x!tpu.dma_semaphore, #tpu.memory_space<semaphore_mem>> -> memref<!tpu.dma_semaphore, #tpu.memory_space<semaphore_mem>>
      tpu.wait_indirect_dma semaphore(%dma_wait3A_158 : memref<!tpu.dma_semaphore, #tpu.memory_space<semaphore_mem>>) src(%dma_wait3A_156 : memref<40000x32xf32, #tpu.memory_space<hbm>>) dst(%arg14 : memref<128x32xf32, #tpu.memory_space<vmem>>)
      %dma_start3A_159 = arith.constant 4 : i32
      %dma_start3A_160 = arith.constant 0 : i32
      %dma_start3A_161 = tpu.memref_slice %arg9[%add3A_149, %dma_start3A_160] : memref<80x128xi32, #tpu.memory_space<vmem>> -> memref<1x128xi32, #tpu.memory_space<vmem>>
      %dma_start3A_162 = tpu.memref_squeeze %dma_start3A_161 : memref<1x128xi32, #tpu.memory_space<vmem>> -> memref<128xi32, #tpu.memory_space<vmem>>
      %dma_start3A_163 = arith.constant 0 : i32
      %dma_start3A_164 = arith.constant 0 : i32
      %dma_start3A_165 = tpu.memref_slice %arg7[%dma_start3A_163, %dma_start3A_164] : memref<40064x32xf32, #tpu.memory_space<vmem_shared>> -> memref<40064x32xf32, #tpu.memory_space<vmem_shared>>
      %dma_start3A_166 = tpu.memref_slice %arg16[%dma_start3A_159] : memref<5x!tpu.dma_semaphore, #tpu.memory_space<semaphore_mem>> -> memref<1x!tpu.dma_semaphore, #tpu.memory_space<semaphore_mem>>
      %dma_start3A_167 = tpu.memref_squeeze %dma_start3A_166 : memref<1x!tpu.dma_semaphore, #tpu.memory_space<semaphore_mem>> -> memref<!tpu.dma_semaphore, #tpu.memory_space<semaphore_mem>>
      tpu.enqueue_indirect_dma source(%arg14 : memref<128x32xf32, #tpu.memory_space<vmem>>) target(%dma_start3A_165 : memref<40064x32xf32, #tpu.memory_space<vmem_shared>>) offsets(%dma_start3A_162 : memref<128xi32, #tpu.memory_space<vmem>>) semaphore(%dma_start3A_167 : memref<!tpu.dma_semaphore, #tpu.memory_space<semaphore_mem>>) {add = true}
      %mul3A_168 = arith.constant 5 : i32
      %mul3A_169 = arith.muli %scan3A_58, %mul3A_168 : i32
      %add3A_170 = arith.constant 0 : i32
      %add3A_171 = arith.addi %mul3A_169, %add3A_170 : i32
      %dma_wait3A_172 = arith.constant 0 : i32
      %dma_wait3A_173 = arith.constant 0 : i32
      %dma_wait3A_174 = tpu.memref_slice %arg9[%add3A_171, %dma_wait3A_173] : memref<80x128xi32, #tpu.memory_space<vmem>> -> memref<1x128xi32, #tpu.memory_space<vmem>>
      %dma_wait3A_175 = tpu.memref_squeeze %dma_wait3A_174 : memref<1x128xi32, #tpu.memory_space<vmem>> -> memref<128xi32, #tpu.memory_space<vmem>>
      %dma_wait3A_176 = arith.constant 0 : i32
      %dma_wait3A_177 = arith.constant 0 : i32
      %dma_wait3A_178 = tpu.memref_slice %arg7[%dma_wait3A_176, %dma_wait3A_177] : memref<40064x32xf32, #tpu.memory_space<vmem_shared>> -> memref<40064x32xf32, #tpu.memory_space<vmem_shared>>
      %dma_wait3A_179 = tpu.memref_slice %arg16[%dma_wait3A_172] : memref<5x!tpu.dma_semaphore, #tpu.memory_space<semaphore_mem>> -> memref<1x!tpu.dma_semaphore, #tpu.memory_space<semaphore_mem>>
      %dma_wait3A_180 = tpu.memref_squeeze %dma_wait3A_179 : memref<1x!tpu.dma_semaphore, #tpu.memory_space<semaphore_mem>> -> memref<!tpu.dma_semaphore, #tpu.memory_space<semaphore_mem>>
      tpu.wait_indirect_dma semaphore(%dma_wait3A_180 : memref<!tpu.dma_semaphore, #tpu.memory_space<semaphore_mem>>) src(%arg10 : memref<128x32xf32, #tpu.memory_space<vmem>>) dst(%dma_wait3A_178 : memref<40064x32xf32, #tpu.memory_space<vmem_shared>>)
      %lt3A = arith.constant 15 : i32
      %lt3A_181 = arith.cmpi slt, %scan3A_58, %lt3A : i32
      %convert_element_type3A = arith.extui %lt3A_181 : i1 to i32
      %cond3A = arith.constant 0 : i32
      %cond3A_182 = arith.cmpi ne, %convert_element_type3A, %cond3A : i32
      scf.if %cond3A_182 {
        %add3A_255 = arith.constant 5 : i32
        %add3A_256 = arith.addi %add3A_171, %add3A_255 : i32
        %dma_start3A_257 = arith.constant 0 : i32
        %dma_start3A_258 = arith.constant 0 : i32
        %dma_start3A_259 = tpu.memref_slice %arg8[%add3A_256, %dma_start3A_258] : memref<80x128xi32, #tpu.memory_space<vmem>> -> memref<1x128xi32, #tpu.memory_space<vmem>>
        %dma_start3A_260 = tpu.memref_squeeze %dma_start3A_259 : memref<1x128xi32, #tpu.memory_space<vmem>> -> memref<128xi32, #tpu.memory_space<vmem>>
        %dma_start3A_261 = arith.constant 0 : i32
        %dma_start3A_262 = arith.constant 0 : i32
        %dma_start3A_263 = tpu.memref_slice %arg2[%dma_start3A_261, %dma_start3A_262] : memref<40000x32xf32, #tpu.memory_space<hbm>> -> memref<40000x32xf32, #tpu.memory_space<hbm>>
        %dma_start3A_264 = tpu.memref_slice %arg15[%dma_start3A_257] : memref<5x!tpu.dma_semaphore, #tpu.memory_space<semaphore_mem>> -> memref<1x!tpu.dma_semaphore, #tpu.memory_space<semaphore_mem>>
        %dma_start3A_265 = tpu.memref_squeeze %dma_start3A_264 : memref<1x!tpu.dma_semaphore, #tpu.memory_space<semaphore_mem>> -> memref<!tpu.dma_semaphore, #tpu.memory_space<semaphore_mem>>
        tpu.enqueue_indirect_dma source(%dma_start3A_263 : memref<40000x32xf32, #tpu.memory_space<hbm>>) target(%arg10 : memref<128x32xf32, #tpu.memory_space<vmem>>) offsets(%dma_start3A_260 : memref<128xi32, #tpu.memory_space<vmem>>) semaphore(%dma_start3A_265 : memref<!tpu.dma_semaphore, #tpu.memory_space<semaphore_mem>>)
      } else {
      }
      %mul3A_183 = arith.constant 5 : i32
      %mul3A_184 = arith.muli %scan3A_58, %mul3A_183 : i32
      %add3A_185 = arith.constant 1 : i32
      %add3A_186 = arith.addi %mul3A_184, %add3A_185 : i32
      %dma_wait3A_187 = arith.constant 1 : i32
      %dma_wait3A_188 = arith.constant 0 : i32
      %dma_wait3A_189 = tpu.memref_slice %arg9[%add3A_186, %dma_wait3A_188] : memref<80x128xi32, #tpu.memory_space<vmem>> -> memref<1x128xi32, #tpu.memory_space<vmem>>
      %dma_wait3A_190 = tpu.memref_squeeze %dma_wait3A_189 : memref<1x128xi32, #tpu.memory_space<vmem>> -> memref<128xi32, #tpu.memory_space<vmem>>
      %dma_wait3A_191 = arith.constant 0 : i32
      %dma_wait3A_192 = arith.constant 0 : i32
      %dma_wait3A_193 = tpu.memref_slice %arg7[%dma_wait3A_191, %dma_wait3A_192] : memref<40064x32xf32, #tpu.memory_space<vmem_shared>> -> memref<40064x32xf32, #tpu.memory_space<vmem_shared>>
      %dma_wait3A_194 = tpu.memref_slice %arg16[%dma_wait3A_187] : memref<5x!tpu.dma_semaphore, #tpu.memory_space<semaphore_mem>> -> memref<1x!tpu.dma_semaphore, #tpu.memory_space<semaphore_mem>>
      %dma_wait3A_195 = tpu.memref_squeeze %dma_wait3A_194 : memref<1x!tpu.dma_semaphore, #tpu.memory_space<semaphore_mem>> -> memref<!tpu.dma_semaphore, #tpu.memory_space<semaphore_mem>>
      tpu.wait_indirect_dma semaphore(%dma_wait3A_195 : memref<!tpu.dma_semaphore, #tpu.memory_space<semaphore_mem>>) src(%arg11 : memref<128x32xf32, #tpu.memory_space<vmem>>) dst(%dma_wait3A_193 : memref<40064x32xf32, #tpu.memory_space<vmem_shared>>)
      %lt3A_196 = arith.constant 15 : i32
      %lt3A_197 = arith.cmpi slt, %scan3A_58, %lt3A_196 : i32
      %convert_element_type3A_198 = arith.extui %lt3A_197 : i1 to i32
      %cond3A_199 = arith.constant 0 : i32
      %cond3A_200 = arith.cmpi ne, %convert_element_type3A_198, %cond3A_199 : i32
      scf.if %cond3A_200 {
        %add3A_255 = arith.constant 5 : i32
        %add3A_256 = arith.addi %add3A_186, %add3A_255 : i32
        %dma_start3A_257 = arith.constant 1 : i32
        %dma_start3A_258 = arith.constant 0 : i32
        %dma_start3A_259 = tpu.memref_slice %arg8[%add3A_256, %dma_start3A_258] : memref<80x128xi32, #tpu.memory_space<vmem>> -> memref<1x128xi32, #tpu.memory_space<vmem>>
        %dma_start3A_260 = tpu.memref_squeeze %dma_start3A_259 : memref<1x128xi32, #tpu.memory_space<vmem>> -> memref<128xi32, #tpu.memory_space<vmem>>
        %dma_start3A_261 = arith.constant 0 : i32
        %dma_start3A_262 = arith.constant 0 : i32
        %dma_start3A_263 = tpu.memref_slice %arg2[%dma_start3A_261, %dma_start3A_262] : memref<40000x32xf32, #tpu.memory_space<hbm>> -> memref<40000x32xf32, #tpu.memory_space<hbm>>
        %dma_start3A_264 = tpu.memref_slice %arg15[%dma_start3A_257] : memref<5x!tpu.dma_semaphore, #tpu.memory_space<semaphore_mem>> -> memref<1x!tpu.dma_semaphore, #tpu.memory_space<semaphore_mem>>
        %dma_start3A_265 = tpu.memref_squeeze %dma_start3A_264 : memref<1x!tpu.dma_semaphore, #tpu.memory_space<semaphore_mem>> -> memref<!tpu.dma_semaphore, #tpu.memory_space<semaphore_mem>>
        tpu.enqueue_indirect_dma source(%dma_start3A_263 : memref<40000x32xf32, #tpu.memory_space<hbm>>) target(%arg11 : memref<128x32xf32, #tpu.memory_space<vmem>>) offsets(%dma_start3A_260 : memref<128xi32, #tpu.memory_space<vmem>>) semaphore(%dma_start3A_265 : memref<!tpu.dma_semaphore, #tpu.memory_space<semaphore_mem>>)
      } else {
      }
      %mul3A_201 = arith.constant 5 : i32
      %mul3A_202 = arith.muli %scan3A_58, %mul3A_201 : i32
      %add3A_203 = arith.constant 2 : i32
      %add3A_204 = arith.addi %mul3A_202, %add3A_203 : i32
      %dma_wait3A_205 = arith.constant 2 : i32
      %dma_wait3A_206 = arith.constant 0 : i32
      %dma_wait3A_207 = tpu.memref_slice %arg9[%add3A_204, %dma_wait3A_206] : memref<80x128xi32, #tpu.memory_space<vmem>> -> memref<1x128xi32, #tpu.memory_space<vmem>>
      %dma_wait3A_208 = tpu.memref_squeeze %dma_wait3A_207 : memref<1x128xi32, #tpu.memory_space<vmem>> -> memref<128xi32, #tpu.memory_space<vmem>>
      %dma_wait3A_209 = arith.constant 0 : i32
      %dma_wait3A_210 = arith.constant 0 : i32
      %dma_wait3A_211 = tpu.memref_slice %arg7[%dma_wait3A_209, %dma_wait3A_210] : memref<40064x32xf32, #tpu.memory_space<vmem_shared>> -> memref<40064x32xf32, #tpu.memory_space<vmem_shared>>
      %dma_wait3A_212 = tpu.memref_slice %arg16[%dma_wait3A_205] : memref<5x!tpu.dma_semaphore, #tpu.memory_space<semaphore_mem>> -> memref<1x!tpu.dma_semaphore, #tpu.memory_space<semaphore_mem>>
      %dma_wait3A_213 = tpu.memref_squeeze %dma_wait3A_212 : memref<1x!tpu.dma_semaphore, #tpu.memory_space<semaphore_mem>> -> memref<!tpu.dma_semaphore, #tpu.memory_space<semaphore_mem>>
      tpu.wait_indirect_dma semaphore(%dma_wait3A_213 : memref<!tpu.dma_semaphore, #tpu.memory_space<semaphore_mem>>) src(%arg12 : memref<128x32xf32, #tpu.memory_space<vmem>>) dst(%dma_wait3A_211 : memref<40064x32xf32, #tpu.memory_space<vmem_shared>>)
      %lt3A_214 = arith.constant 15 : i32
      %lt3A_215 = arith.cmpi slt, %scan3A_58, %lt3A_214 : i32
      %convert_element_type3A_216 = arith.extui %lt3A_215 : i1 to i32
      %cond3A_217 = arith.constant 0 : i32
      %cond3A_218 = arith.cmpi ne, %convert_element_type3A_216, %cond3A_217 : i32
      scf.if %cond3A_218 {
        %add3A_255 = arith.constant 5 : i32
        %add3A_256 = arith.addi %add3A_204, %add3A_255 : i32
        %dma_start3A_257 = arith.constant 2 : i32
        %dma_start3A_258 = arith.constant 0 : i32
        %dma_start3A_259 = tpu.memref_slice %arg8[%add3A_256, %dma_start3A_258] : memref<80x128xi32, #tpu.memory_space<vmem>> -> memref<1x128xi32, #tpu.memory_space<vmem>>
        %dma_start3A_260 = tpu.memref_squeeze %dma_start3A_259 : memref<1x128xi32, #tpu.memory_space<vmem>> -> memref<128xi32, #tpu.memory_space<vmem>>
        %dma_start3A_261 = arith.constant 0 : i32
        %dma_start3A_262 = arith.constant 0 : i32
        %dma_start3A_263 = tpu.memref_slice %arg2[%dma_start3A_261, %dma_start3A_262] : memref<40000x32xf32, #tpu.memory_space<hbm>> -> memref<40000x32xf32, #tpu.memory_space<hbm>>
        %dma_start3A_264 = tpu.memref_slice %arg15[%dma_start3A_257] : memref<5x!tpu.dma_semaphore, #tpu.memory_space<semaphore_mem>> -> memref<1x!tpu.dma_semaphore, #tpu.memory_space<semaphore_mem>>
        %dma_start3A_265 = tpu.memref_squeeze %dma_start3A_264 : memref<1x!tpu.dma_semaphore, #tpu.memory_space<semaphore_mem>> -> memref<!tpu.dma_semaphore, #tpu.memory_space<semaphore_mem>>
        tpu.enqueue_indirect_dma source(%dma_start3A_263 : memref<40000x32xf32, #tpu.memory_space<hbm>>) target(%arg12 : memref<128x32xf32, #tpu.memory_space<vmem>>) offsets(%dma_start3A_260 : memref<128xi32, #tpu.memory_space<vmem>>) semaphore(%dma_start3A_265 : memref<!tpu.dma_semaphore, #tpu.memory_space<semaphore_mem>>)
      } else {
      }
      %mul3A_219 = arith.constant 5 : i32
      %mul3A_220 = arith.muli %scan3A_58, %mul3A_219 : i32
      %add3A_221 = arith.constant 3 : i32
      %add3A_222 = arith.addi %mul3A_220, %add3A_221 : i32
      %dma_wait3A_223 = arith.constant 3 : i32
      %dma_wait3A_224 = arith.constant 0 : i32
      %dma_wait3A_225 = tpu.memref_slice %arg9[%add3A_222, %dma_wait3A_224] : memref<80x128xi32, #tpu.memory_space<vmem>> -> memref<1x128xi32, #tpu.memory_space<vmem>>
      %dma_wait3A_226 = tpu.memref_squeeze %dma_wait3A_225 : memref<1x128xi32, #tpu.memory_space<vmem>> -> memref<128xi32, #tpu.memory_space<vmem>>
      %dma_wait3A_227 = arith.constant 0 : i32
      %dma_wait3A_228 = arith.constant 0 : i32
      %dma_wait3A_229 = tpu.memref_slice %arg7[%dma_wait3A_227, %dma_wait3A_228] : memref<40064x32xf32, #tpu.memory_space<vmem_shared>> -> memref<40064x32xf32, #tpu.memory_space<vmem_shared>>
      %dma_wait3A_230 = tpu.memref_slice %arg16[%dma_wait3A_223] : memref<5x!tpu.dma_semaphore, #tpu.memory_space<semaphore_mem>> -> memref<1x!tpu.dma_semaphore, #tpu.memory_space<semaphore_mem>>
      %dma_wait3A_231 = tpu.memref_squeeze %dma_wait3A_230 : memref<1x!tpu.dma_semaphore, #tpu.memory_space<semaphore_mem>> -> memref<!tpu.dma_semaphore, #tpu.memory_space<semaphore_mem>>
      tpu.wait_indirect_dma semaphore(%dma_wait3A_231 : memref<!tpu.dma_semaphore, #tpu.memory_space<semaphore_mem>>) src(%arg13 : memref<128x32xf32, #tpu.memory_space<vmem>>) dst(%dma_wait3A_229 : memref<40064x32xf32, #tpu.memory_space<vmem_shared>>)
      %lt3A_232 = arith.constant 15 : i32
      %lt3A_233 = arith.cmpi slt, %scan3A_58, %lt3A_232 : i32
      %convert_element_type3A_234 = arith.extui %lt3A_233 : i1 to i32
      %cond3A_235 = arith.constant 0 : i32
      %cond3A_236 = arith.cmpi ne, %convert_element_type3A_234, %cond3A_235 : i32
      scf.if %cond3A_236 {
        %add3A_255 = arith.constant 5 : i32
        %add3A_256 = arith.addi %add3A_222, %add3A_255 : i32
        %dma_start3A_257 = arith.constant 3 : i32
        %dma_start3A_258 = arith.constant 0 : i32
        %dma_start3A_259 = tpu.memref_slice %arg8[%add3A_256, %dma_start3A_258] : memref<80x128xi32, #tpu.memory_space<vmem>> -> memref<1x128xi32, #tpu.memory_space<vmem>>
        %dma_start3A_260 = tpu.memref_squeeze %dma_start3A_259 : memref<1x128xi32, #tpu.memory_space<vmem>> -> memref<128xi32, #tpu.memory_space<vmem>>
        %dma_start3A_261 = arith.constant 0 : i32
        %dma_start3A_262 = arith.constant 0 : i32
        %dma_start3A_263 = tpu.memref_slice %arg2[%dma_start3A_261, %dma_start3A_262] : memref<40000x32xf32, #tpu.memory_space<hbm>> -> memref<40000x32xf32, #tpu.memory_space<hbm>>
        %dma_start3A_264 = tpu.memref_slice %arg15[%dma_start3A_257] : memref<5x!tpu.dma_semaphore, #tpu.memory_space<semaphore_mem>> -> memref<1x!tpu.dma_semaphore, #tpu.memory_space<semaphore_mem>>
        %dma_start3A_265 = tpu.memref_squeeze %dma_start3A_264 : memref<1x!tpu.dma_semaphore, #tpu.memory_space<semaphore_mem>> -> memref<!tpu.dma_semaphore, #tpu.memory_space<semaphore_mem>>
        tpu.enqueue_indirect_dma source(%dma_start3A_263 : memref<40000x32xf32, #tpu.memory_space<hbm>>) target(%arg13 : memref<128x32xf32, #tpu.memory_space<vmem>>) offsets(%dma_start3A_260 : memref<128xi32, #tpu.memory_space<vmem>>) semaphore(%dma_start3A_265 : memref<!tpu.dma_semaphore, #tpu.memory_space<semaphore_mem>>)
      } else {
      }
      %mul3A_237 = arith.constant 5 : i32
      %mul3A_238 = arith.muli %scan3A_58, %mul3A_237 : i32
      %add3A_239 = arith.constant 4 : i32
      %add3A_240 = arith.addi %mul3A_238, %add3A_239 : i32
      %dma_wait3A_241 = arith.constant 4 : i32
      %dma_wait3A_242 = arith.constant 0 : i32
      %dma_wait3A_243 = tpu.memref_slice %arg9[%add3A_240, %dma_wait3A_242] : memref<80x128xi32, #tpu.memory_space<vmem>> -> memref<1x128xi32, #tpu.memory_space<vmem>>
      %dma_wait3A_244 = tpu.memref_squeeze %dma_wait3A_243 : memref<1x128xi32, #tpu.memory_space<vmem>> -> memref<128xi32, #tpu.memory_space<vmem>>
      %dma_wait3A_245 = arith.constant 0 : i32
      %dma_wait3A_246 = arith.constant 0 : i32
      %dma_wait3A_247 = tpu.memref_slice %arg7[%dma_wait3A_245, %dma_wait3A_246] : memref<40064x32xf32, #tpu.memory_space<vmem_shared>> -> memref<40064x32xf32, #tpu.memory_space<vmem_shared>>
      %dma_wait3A_248 = tpu.memref_slice %arg16[%dma_wait3A_241] : memref<5x!tpu.dma_semaphore, #tpu.memory_space<semaphore_mem>> -> memref<1x!tpu.dma_semaphore, #tpu.memory_space<semaphore_mem>>
      %dma_wait3A_249 = tpu.memref_squeeze %dma_wait3A_248 : memref<1x!tpu.dma_semaphore, #tpu.memory_space<semaphore_mem>> -> memref<!tpu.dma_semaphore, #tpu.memory_space<semaphore_mem>>
      tpu.wait_indirect_dma semaphore(%dma_wait3A_249 : memref<!tpu.dma_semaphore, #tpu.memory_space<semaphore_mem>>) src(%arg14 : memref<128x32xf32, #tpu.memory_space<vmem>>) dst(%dma_wait3A_247 : memref<40064x32xf32, #tpu.memory_space<vmem_shared>>)
      %lt3A_250 = arith.constant 15 : i32
      %lt3A_251 = arith.cmpi slt, %scan3A_58, %lt3A_250 : i32
      %convert_element_type3A_252 = arith.extui %lt3A_251 : i1 to i32
      %cond3A_253 = arith.constant 0 : i32
      %cond3A_254 = arith.cmpi ne, %convert_element_type3A_252, %cond3A_253 : i32
      scf.if %cond3A_254 {
        %add3A_255 = arith.constant 5 : i32
        %add3A_256 = arith.addi %add3A_240, %add3A_255 : i32
        %dma_start3A_257 = arith.constant 4 : i32
        %dma_start3A_258 = arith.constant 0 : i32
        %dma_start3A_259 = tpu.memref_slice %arg8[%add3A_256, %dma_start3A_258] : memref<80x128xi32, #tpu.memory_space<vmem>> -> memref<1x128xi32, #tpu.memory_space<vmem>>
        %dma_start3A_260 = tpu.memref_squeeze %dma_start3A_259 : memref<1x128xi32, #tpu.memory_space<vmem>> -> memref<128xi32, #tpu.memory_space<vmem>>
        %dma_start3A_261 = arith.constant 0 : i32
        %dma_start3A_262 = arith.constant 0 : i32
        %dma_start3A_263 = tpu.memref_slice %arg2[%dma_start3A_261, %dma_start3A_262] : memref<40000x32xf32, #tpu.memory_space<hbm>> -> memref<40000x32xf32, #tpu.memory_space<hbm>>
        %dma_start3A_264 = tpu.memref_slice %arg15[%dma_start3A_257] : memref<5x!tpu.dma_semaphore, #tpu.memory_space<semaphore_mem>> -> memref<1x!tpu.dma_semaphore, #tpu.memory_space<semaphore_mem>>
        %dma_start3A_265 = tpu.memref_squeeze %dma_start3A_264 : memref<1x!tpu.dma_semaphore, #tpu.memory_space<semaphore_mem>> -> memref<!tpu.dma_semaphore, #tpu.memory_space<semaphore_mem>>
        tpu.enqueue_indirect_dma source(%dma_start3A_263 : memref<40000x32xf32, #tpu.memory_space<hbm>>) target(%arg14 : memref<128x32xf32, #tpu.memory_space<vmem>>) offsets(%dma_start3A_260 : memref<128xi32, #tpu.memory_space<vmem>>) semaphore(%dma_start3A_265 : memref<!tpu.dma_semaphore, #tpu.memory_space<semaphore_mem>>)
      } else {
      }
    }
    %scan3A_56 = arith.constant 16 : i32
    %barrier3A_57 = arith.constant 0 : index
    tpu.barrier barrier_id(%barrier3A_57)
    "tpu.region"() ({
      %run_scoped3A = tpu.sem_alloc : memref<!tpu.dma_semaphore, #tpu.memory_space<semaphore_mem>>
      %dma_start3A_58 = arith.constant 0 : i32
      %dma_start3A_59 = tpu.memref_slice %arg6[%arg0, %mul3A_2, %dma_start3A_58] : memref<2x40064x32xf32, #tpu.memory_space<hbm>> -> memref<1x2504x32xf32, #tpu.memory_space<hbm>>
      %dma_start3A_60 = tpu.memref_squeeze %dma_start3A_59 : memref<1x2504x32xf32, #tpu.memory_space<hbm>> -> memref<2504x32xf32, #tpu.memory_space<hbm>>
      %dma_start3A_61 = arith.constant 0 : i32
      %dma_start3A_62 = tpu.memref_slice %arg7[%mul3A_2, %dma_start3A_61] : memref<40064x32xf32, #tpu.memory_space<vmem_shared>> -> memref<2504x32xf32, #tpu.memory_space<vmem_shared>>
      tpu.enqueue_dma source(%dma_start3A_62 : memref<2504x32xf32, #tpu.memory_space<vmem_shared>>) target(%dma_start3A_60 : memref<2504x32xf32, #tpu.memory_space<hbm>>) target_semaphore(%run_scoped3A : memref<!tpu.dma_semaphore, #tpu.memory_space<semaphore_mem>>)
      %dma_wait3A = arith.constant 0 : i32
      %dma_wait3A_63 = tpu.memref_slice %arg6[%arg0, %mul3A_2, %dma_wait3A] : memref<2x40064x32xf32, #tpu.memory_space<hbm>> -> memref<1x2504x32xf32, #tpu.memory_space<hbm>>
      %dma_wait3A_64 = tpu.memref_squeeze %dma_wait3A_63 : memref<1x2504x32xf32, #tpu.memory_space<hbm>> -> memref<2504x32xf32, #tpu.memory_space<hbm>>
      %dma_wait3A_65 = arith.constant 0 : i32
      %dma_wait3A_66 = tpu.memref_slice %arg7[%mul3A_2, %dma_wait3A_65] : memref<40064x32xf32, #tpu.memory_space<vmem_shared>> -> memref<2504x32xf32, #tpu.memory_space<vmem_shared>>
      tpu.wait_dma2 semaphore(%run_scoped3A : memref<!tpu.dma_semaphore, #tpu.memory_space<semaphore_mem>>) src(%dma_wait3A_66 : memref<2504x32xf32, #tpu.memory_space<vmem_shared>>) dst(%dma_wait3A_64 : memref<2504x32xf32, #tpu.memory_space<hbm>>)
      tpu.yield
    }) : () -> ()
    return
  }
}

#map = affine_map<(d0, d1) -> (0, 0)>
#map1 = affine_map<(d0, d1) -> (0, 0, 0)>
module attributes {stable_mosaic.version = 14 : i64} {
  func.func @body(%arg0: i32, %arg1: i32, %arg2: memref<40000x32xf32, #tpu.memory_space<hbm>>, %arg3: memref<32x80x128xi32, #tpu.memory_space<hbm>>, %arg4: memref<32x80x128xi32, #tpu.memory_space<hbm>>, %arg5: memref<40064x32xf32, #tpu.memory_space<hbm>>, %arg6: memref<2x40064x32xf32, #tpu.memory_space<hbm>>, %arg7: memref<40064x32xf32, #tpu.memory_space<vmem_shared>>, %arg8: memref<80x128xi32, #tpu.memory_space<vmem>>, %arg9: memref<80x128xi32, #tpu.memory_space<vmem>>, %arg10: memref<128x32xf32, #tpu.memory_space<vmem>>, %arg11: memref<128x32xf32, #tpu.memory_space<vmem>>, %arg12: memref<128x32xf32, #tpu.memory_space<vmem>>, %arg13: memref<128x32xf32, #tpu.memory_space<vmem>>, %arg14: memref<128x32xf32, #tpu.memory_space<vmem>>, %arg15: memref<5x!tpu.dma_semaphore, #tpu.memory_space<semaphore_mem>>, %arg16: memref<5x!tpu.dma_semaphore, #tpu.memory_space<semaphore_mem>>) attributes {dimension_semantics = [#tpu.dimension_semantics<core_parallel>, #tpu.dimension_semantics<subcore_parallel>], iteration_bounds = array<i64: 2, 16>, scalar_prefetch = 0 : i64, scratch_operands = 10 : i64, tpu.core_type = #tpu.core_type<sc_vector_subcore>, window_params = [{transform_indices = #map}, {transform_indices = #map1}, {transform_indices = #map1}, {transform_indices = #map}, {transform_indices = #map1}]} {
    %mul3A = arith.constant 16 : i32
    %mul3A_0 = arith.muli %arg0, %mul3A : i32
    %add3A = arith.addi %mul3A_0, %arg1 : i32
    %mul3A_1 = arith.constant 2504 : i32
    %mul3A_2 = arith.muli %arg1, %mul3A_1 : i32
    "tpu.region"() ({
      %run_scoped3A = tpu.sem_alloc : memref<!tpu.dma_semaphore, #tpu.memory_space<semaphore_mem>>
      %dma_start3A_58 = arith.constant 0 : i32
      %dma_start3A_59 = arith.constant 0 : i32
      %dma_start3A_60 = tpu.memref_slice %arg3[%add3A, %dma_start3A_58, %dma_start3A_59] : memref<32x80x128xi32, #tpu.memory_space<hbm>> -> memref<1x80x128xi32, #tpu.memory_space<hbm>>
      %dma_start3A_61 = tpu.memref_squeeze %dma_start3A_60 : memref<1x80x128xi32, #tpu.memory_space<hbm>> -> memref<80x128xi32, #tpu.memory_space<hbm>>
      %dma_start3A_62 = arith.constant 0 : i32
      %dma_start3A_63 = arith.constant 0 : i32
      %dma_start3A_64 = tpu.memref_slice %arg3[%add3A, %dma_start3A_62, %dma_start3A_63] : memref<32x80x128xi32, #tpu.memory_space<hbm>> -> memref<1x80x128xi32, #tpu.memory_space<hbm>>
      %dma_start3A_65 = tpu.memref_squeeze %dma_start3A_64 : memref<1x80x128xi32, #tpu.memory_space<hbm>> -> memref<80x128xi32, #tpu.memory_space<hbm>>
      tpu.enqueue_dma source(%dma_start3A_65 : memref<80x128xi32, #tpu.memory_space<hbm>>) target(%arg8 : memref<80x128xi32, #tpu.memory_space<vmem>>) target_semaphore(%run_scoped3A : memref<!tpu.dma_semaphore, #tpu.memory_space<semaphore_mem>>)
      %dma_wait3A = arith.constant 0 : i32
      %dma_wait3A_66 = arith.constant 0 : i32
      %dma_wait3A_67 = tpu.memref_slice %arg3[%add3A, %dma_wait3A, %dma_wait3A_66] : memref<32x80x128xi32, #tpu.memory_space<hbm>> -> memref<1x80x128xi32, #tpu.memory_space<hbm>>
      %dma_wait3A_68 = tpu.memref_squeeze %dma_wait3A_67 : memref<1x80x128xi32, #tpu.memory_space<hbm>> -> memref<80x128xi32, #tpu.memory_space<hbm>>
      %dma_wait3A_69 = arith.constant 0 : i32
      %dma_wait3A_70 = arith.constant 0 : i32
      %dma_wait3A_71 = tpu.memref_slice %arg3[%add3A, %dma_wait3A_69, %dma_wait3A_70] : memref<32x80x128xi32, #tpu.memory_space<hbm>> -> memref<1x80x128xi32, #tpu.memory_space<hbm>>
      %dma_wait3A_72 = tpu.memref_squeeze %dma_wait3A_71 : memref<1x80x128xi32, #tpu.memory_space<hbm>> -> memref<80x128xi32, #tpu.memory_space<hbm>>
      tpu.wait_dma2 semaphore(%run_scoped3A : memref<!tpu.dma_semaphore, #tpu.memory_space<semaphore_mem>>) src(%dma_wait3A_72 : memref<80x128xi32, #tpu.memory_space<hbm>>) dst(%arg8 : memref<80x128xi32, #tpu.memory_space<vmem>>)
      tpu.yield
    }) : () -> ()
    "tpu.region"() ({
      %run_scoped3A = tpu.sem_alloc : memref<!tpu.dma_semaphore, #tpu.memory_space<semaphore_mem>>
      %dma_start3A_58 = arith.constant 0 : i32
      %dma_start3A_59 = arith.constant 0 : i32
      %dma_start3A_60 = tpu.memref_slice %arg4[%add3A, %dma_start3A_58, %dma_start3A_59] : memref<32x80x128xi32, #tpu.memory_space<hbm>> -> memref<1x80x128xi32, #tpu.memory_space<hbm>>
      %dma_start3A_61 = tpu.memref_squeeze %dma_start3A_60 : memref<1x80x128xi32, #tpu.memory_space<hbm>> -> memref<80x128xi32, #tpu.memory_space<hbm>>
      %dma_start3A_62 = arith.constant 0 : i32
      %dma_start3A_63 = arith.constant 0 : i32
      %dma_start3A_64 = tpu.memref_slice %arg4[%add3A, %dma_start3A_62, %dma_start3A_63] : memref<32x80x128xi32, #tpu.memory_space<hbm>> -> memref<1x80x128xi32, #tpu.memory_space<hbm>>
      %dma_start3A_65 = tpu.memref_squeeze %dma_start3A_64 : memref<1x80x128xi32, #tpu.memory_space<hbm>> -> memref<80x128xi32, #tpu.memory_space<hbm>>
      tpu.enqueue_dma source(%dma_start3A_65 : memref<80x128xi32, #tpu.memory_space<hbm>>) target(%arg9 : memref<80x128xi32, #tpu.memory_space<vmem>>) target_semaphore(%run_scoped3A : memref<!tpu.dma_semaphore, #tpu.memory_space<semaphore_mem>>)
      %dma_wait3A = arith.constant 0 : i32
      %dma_wait3A_66 = arith.constant 0 : i32
      %dma_wait3A_67 = tpu.memref_slice %arg4[%add3A, %dma_wait3A, %dma_wait3A_66] : memref<32x80x128xi32, #tpu.memory_space<hbm>> -> memref<1x80x128xi32, #tpu.memory_space<hbm>>
      %dma_wait3A_68 = tpu.memref_squeeze %dma_wait3A_67 : memref<1x80x128xi32, #tpu.memory_space<hbm>> -> memref<80x128xi32, #tpu.memory_space<hbm>>
      %dma_wait3A_69 = arith.constant 0 : i32
      %dma_wait3A_70 = arith.constant 0 : i32
      %dma_wait3A_71 = tpu.memref_slice %arg4[%add3A, %dma_wait3A_69, %dma_wait3A_70] : memref<32x80x128xi32, #tpu.memory_space<hbm>> -> memref<1x80x128xi32, #tpu.memory_space<hbm>>
      %dma_wait3A_72 = tpu.memref_squeeze %dma_wait3A_71 : memref<1x80x128xi32, #tpu.memory_space<hbm>> -> memref<80x128xi32, #tpu.memory_space<hbm>>
      tpu.wait_dma2 semaphore(%run_scoped3A : memref<!tpu.dma_semaphore, #tpu.memory_space<semaphore_mem>>) src(%dma_wait3A_72 : memref<80x128xi32, #tpu.memory_space<hbm>>) dst(%arg9 : memref<80x128xi32, #tpu.memory_space<vmem>>)
      tpu.yield
    }) : () -> ()
    "tpu.region"() ({
      %run_scoped3A = tpu.sem_alloc : memref<!tpu.dma_semaphore, #tpu.memory_space<semaphore_mem>>
      %dma_start3A_58 = arith.constant 0 : i32
      %dma_start3A_59 = tpu.memref_slice %arg7[%mul3A_2, %dma_start3A_58] : memref<40064x32xf32, #tpu.memory_space<vmem_shared>> -> memref<2504x32xf32, #tpu.memory_space<vmem_shared>>
      %dma_start3A_60 = arith.constant 0 : i32
      %dma_start3A_61 = tpu.memref_slice %arg5[%mul3A_2, %dma_start3A_60] : memref<40064x32xf32, #tpu.memory_space<hbm>> -> memref<2504x32xf32, #tpu.memory_space<hbm>>
      tpu.enqueue_dma source(%dma_start3A_61 : memref<2504x32xf32, #tpu.memory_space<hbm>>) target(%dma_start3A_59 : memref<2504x32xf32, #tpu.memory_space<vmem_shared>>) target_semaphore(%run_scoped3A : memref<!tpu.dma_semaphore, #tpu.memory_space<semaphore_mem>>)
      %dma_wait3A = arith.constant 0 : i32
      %dma_wait3A_62 = tpu.memref_slice %arg7[%mul3A_2, %dma_wait3A] : memref<40064x32xf32, #tpu.memory_space<vmem_shared>> -> memref<2504x32xf32, #tpu.memory_space<vmem_shared>>
      %dma_wait3A_63 = arith.constant 0 : i32
      %dma_wait3A_64 = tpu.memref_slice %arg5[%mul3A_2, %dma_wait3A_63] : memref<40064x32xf32, #tpu.memory_space<hbm>> -> memref<2504x32xf32, #tpu.memory_space<hbm>>
      tpu.wait_dma2 semaphore(%run_scoped3A : memref<!tpu.dma_semaphore, #tpu.memory_space<semaphore_mem>>) src(%dma_wait3A_64 : memref<2504x32xf32, #tpu.memory_space<hbm>>) dst(%dma_wait3A_62 : memref<2504x32xf32, #tpu.memory_space<vmem_shared>>)
      tpu.yield
    }) : () -> ()
    %barrier3A = arith.constant 0 : index
    tpu.barrier barrier_id(%barrier3A)
    %dma_start3A = arith.constant 0 : i32
    %dma_start3A_3 = arith.constant 0 : i32
    %dma_start3A_4 = arith.constant 0 : i32
    %dma_start3A_5 = tpu.memref_slice %arg8[%dma_start3A, %dma_start3A_4] : memref<80x128xi32, #tpu.memory_space<vmem>> -> memref<1x128xi32, #tpu.memory_space<vmem>>
    %dma_start3A_6 = tpu.memref_squeeze %dma_start3A_5 : memref<1x128xi32, #tpu.memory_space<vmem>> -> memref<128xi32, #tpu.memory_space<vmem>>
    %dma_start3A_7 = arith.constant 0 : i32
    %dma_start3A_8 = arith.constant 0 : i32
    %dma_start3A_9 = tpu.memref_slice %arg2[%dma_start3A_7, %dma_start3A_8] : memref<40000x32xf32, #tpu.memory_space<hbm>> -> memref<40000x32xf32, #tpu.memory_space<hbm>>
    %dma_start3A_10 = tpu.memref_slice %arg15[%dma_start3A_3] : memref<5x!tpu.dma_semaphore, #tpu.memory_space<semaphore_mem>> -> memref<1x!tpu.dma_semaphore, #tpu.memory_space<semaphore_mem>>
    %dma_start3A_11 = tpu.memref_squeeze %dma_start3A_10 : memref<1x!tpu.dma_semaphore, #tpu.memory_space<semaphore_mem>> -> memref<!tpu.dma_semaphore, #tpu.memory_space<semaphore_mem>>
    tpu.enqueue_indirect_dma source(%dma_start3A_9 : memref<40000x32xf32, #tpu.memory_space<hbm>>) target(%arg10 : memref<128x32xf32, #tpu.memory_space<vmem>>) offsets(%dma_start3A_6 : memref<128xi32, #tpu.memory_space<vmem>>) semaphore(%dma_start3A_11 : memref<!tpu.dma_semaphore, #tpu.memory_space<semaphore_mem>>)
    %dma_start3A_12 = arith.constant 1 : i32
    %dma_start3A_13 = arith.constant 1 : i32
    %dma_start3A_14 = arith.constant 0 : i32
    %dma_start3A_15 = tpu.memref_slice %arg8[%dma_start3A_12, %dma_start3A_14] : memref<80x128xi32, #tpu.memory_space<vmem>> -> memref<1x128xi32, #tpu.memory_space<vmem>>
    %dma_start3A_16 = tpu.memref_squeeze %dma_start3A_15 : memref<1x128xi32, #tpu.memory_space<vmem>> -> memref<128xi32, #tpu.memory_space<vmem>>
    %dma_start3A_17 = arith.constant 0 : i32
    %dma_start3A_18 = arith.constant 0 : i32
    %dma_start3A_19 = tpu.memref_slice %arg2[%dma_start3A_17, %dma_start3A_18] : memref<40000x32xf32, #tpu.memory_space<hbm>> -> memref<40000x32xf32, #tpu.memory_space<hbm>>
    %dma_start3A_20 = tpu.memref_slice %arg15[%dma_start3A_13] : memref<5x!tpu.dma_semaphore, #tpu.memory_space<semaphore_mem>> -> memref<1x!tpu.dma_semaphore, #tpu.memory_space<semaphore_mem>>
    %dma_start3A_21 = tpu.memref_squeeze %dma_start3A_20 : memref<1x!tpu.dma_semaphore, #tpu.memory_space<semaphore_mem>> -> memref<!tpu.dma_semaphore, #tpu.memory_space<semaphore_mem>>
    tpu.enqueue_indirect_dma source(%dma_start3A_19 : memref<40000x32xf32, #tpu.memory_space<hbm>>) target(%arg11 : memref<128x32xf32, #tpu.memory_space<vmem>>) offsets(%dma_start3A_16 : memref<128xi32, #tpu.memory_space<vmem>>) semaphore(%dma_start3A_21 : memref<!tpu.dma_semaphore, #tpu.memory_space<semaphore_mem>>)
    %dma_start3A_22 = arith.constant 2 : i32
    %dma_start3A_23 = arith.constant 2 : i32
    %dma_start3A_24 = arith.constant 0 : i32
    %dma_start3A_25 = tpu.memref_slice %arg8[%dma_start3A_22, %dma_start3A_24] : memref<80x128xi32, #tpu.memory_space<vmem>> -> memref<1x128xi32, #tpu.memory_space<vmem>>
    %dma_start3A_26 = tpu.memref_squeeze %dma_start3A_25 : memref<1x128xi32, #tpu.memory_space<vmem>> -> memref<128xi32, #tpu.memory_space<vmem>>
    %dma_start3A_27 = arith.constant 0 : i32
    %dma_start3A_28 = arith.constant 0 : i32
    %dma_start3A_29 = tpu.memref_slice %arg2[%dma_start3A_27, %dma_start3A_28] : memref<40000x32xf32, #tpu.memory_space<hbm>> -> memref<40000x32xf32, #tpu.memory_space<hbm>>
    %dma_start3A_30 = tpu.memref_slice %arg15[%dma_start3A_23] : memref<5x!tpu.dma_semaphore, #tpu.memory_space<semaphore_mem>> -> memref<1x!tpu.dma_semaphore, #tpu.memory_space<semaphore_mem>>
    %dma_start3A_31 = tpu.memref_squeeze %dma_start3A_30 : memref<1x!tpu.dma_semaphore, #tpu.memory_space<semaphore_mem>> -> memref<!tpu.dma_semaphore, #tpu.memory_space<semaphore_mem>>
    tpu.enqueue_indirect_dma source(%dma_start3A_29 : memref<40000x32xf32, #tpu.memory_space<hbm>>) target(%arg12 : memref<128x32xf32, #tpu.memory_space<vmem>>) offsets(%dma_start3A_26 : memref<128xi32, #tpu.memory_space<vmem>>) semaphore(%dma_start3A_31 : memref<!tpu.dma_semaphore, #tpu.memory_space<semaphore_mem>>)
    %dma_start3A_32 = arith.constant 3 : i32
    %dma_start3A_33 = arith.constant 3 : i32
    %dma_start3A_34 = arith.constant 0 : i32
    %dma_start3A_35 = tpu.memref_slice %arg8[%dma_start3A_32, %dma_start3A_34] : memref<80x128xi32, #tpu.memory_space<vmem>> -> memref<1x128xi32, #tpu.memory_space<vmem>>
    %dma_start3A_36 = tpu.memref_squeeze %dma_start3A_35 : memref<1x128xi32, #tpu.memory_space<vmem>> -> memref<128xi32, #tpu.memory_space<vmem>>
    %dma_start3A_37 = arith.constant 0 : i32
    %dma_start3A_38 = arith.constant 0 : i32
    %dma_start3A_39 = tpu.memref_slice %arg2[%dma_start3A_37, %dma_start3A_38] : memref<40000x32xf32, #tpu.memory_space<hbm>> -> memref<40000x32xf32, #tpu.memory_space<hbm>>
    %dma_start3A_40 = tpu.memref_slice %arg15[%dma_start3A_33] : memref<5x!tpu.dma_semaphore, #tpu.memory_space<semaphore_mem>> -> memref<1x!tpu.dma_semaphore, #tpu.memory_space<semaphore_mem>>
    %dma_start3A_41 = tpu.memref_squeeze %dma_start3A_40 : memref<1x!tpu.dma_semaphore, #tpu.memory_space<semaphore_mem>> -> memref<!tpu.dma_semaphore, #tpu.memory_space<semaphore_mem>>
    tpu.enqueue_indirect_dma source(%dma_start3A_39 : memref<40000x32xf32, #tpu.memory_space<hbm>>) target(%arg13 : memref<128x32xf32, #tpu.memory_space<vmem>>) offsets(%dma_start3A_36 : memref<128xi32, #tpu.memory_space<vmem>>) semaphore(%dma_start3A_41 : memref<!tpu.dma_semaphore, #tpu.memory_space<semaphore_mem>>)
    %dma_start3A_42 = arith.constant 4 : i32
    %dma_start3A_43 = arith.constant 4 : i32
    %dma_start3A_44 = arith.constant 0 : i32
    %dma_start3A_45 = tpu.memref_slice %arg8[%dma_start3A_42, %dma_start3A_44] : memref<80x128xi32, #tpu.memory_space<vmem>> -> memref<1x128xi32, #tpu.memory_space<vmem>>
    %dma_start3A_46 = tpu.memref_squeeze %dma_start3A_45 : memref<1x128xi32, #tpu.memory_space<vmem>> -> memref<128xi32, #tpu.memory_space<vmem>>
    %dma_start3A_47 = arith.constant 0 : i32
    %dma_start3A_48 = arith.constant 0 : i32
    %dma_start3A_49 = tpu.memref_slice %arg2[%dma_start3A_47, %dma_start3A_48] : memref<40000x32xf32, #tpu.memory_space<hbm>> -> memref<40000x32xf32, #tpu.memory_space<hbm>>
    %dma_start3A_50 = tpu.memref_slice %arg15[%dma_start3A_43] : memref<5x!tpu.dma_semaphore, #tpu.memory_space<semaphore_mem>> -> memref<1x!tpu.dma_semaphore, #tpu.memory_space<semaphore_mem>>
    %dma_start3A_51 = tpu.memref_squeeze %dma_start3A_50 : memref<1x!tpu.dma_semaphore, #tpu.memory_space<semaphore_mem>> -> memref<!tpu.dma_semaphore, #tpu.memory_space<semaphore_mem>>
    tpu.enqueue_indirect_dma source(%dma_start3A_49 : memref<40000x32xf32, #tpu.memory_space<hbm>>) target(%arg14 : memref<128x32xf32, #tpu.memory_space<vmem>>) offsets(%dma_start3A_46 : memref<128xi32, #tpu.memory_space<vmem>>) semaphore(%dma_start3A_51 : memref<!tpu.dma_semaphore, #tpu.memory_space<semaphore_mem>>)
    %scan3A = arith.constant 0 : i32
    %scan3A_52 = arith.constant 0 : i32
    %scan3A_53 = arith.constant 16 : i32
    %scan3A_54 = arith.addi %scan3A_52, %scan3A_53 : i32
    %scan3A_55 = arith.constant 1 : i32
    scf.for %scan3A_58 = %scan3A_52 to %scan3A_54 step %scan3A_55  : i32 {
      %mul3A_59 = arith.constant 5 : i32
      %mul3A_60 = arith.muli %scan3A_58, %mul3A_59 : i32
      %add3A_61 = arith.constant 0 : i32
      %add3A_62 = arith.addi %mul3A_60, %add3A_61 : i32
      %dma_wait3A = arith.constant 0 : i32
      %dma_wait3A_63 = arith.constant 0 : i32
      %dma_wait3A_64 = tpu.memref_slice %arg8[%add3A_62, %dma_wait3A_63] : memref<80x128xi32, #tpu.memory_space<vmem>> -> memref<1x128xi32, #tpu.memory_space<vmem>>
      %dma_wait3A_65 = tpu.memref_squeeze %dma_wait3A_64 : memref<1x128xi32, #tpu.memory_space<vmem>> -> memref<128xi32, #tpu.memory_space<vmem>>
      %dma_wait3A_66 = arith.constant 0 : i32
      %dma_wait3A_67 = arith.constant 0 : i32
      %dma_wait3A_68 = tpu.memref_slice %arg2[%dma_wait3A_66, %dma_wait3A_67] : memref<40000x32xf32, #tpu.memory_space<hbm>> -> memref<40000x32xf32, #tpu.memory_space<hbm>>
      %dma_wait3A_69 = tpu.memref_slice %arg15[%dma_wait3A] : memref<5x!tpu.dma_semaphore, #tpu.memory_space<semaphore_mem>> -> memref<1x!tpu.dma_semaphore, #tpu.memory_space<semaphore_mem>>
      %dma_wait3A_70 = tpu.memref_squeeze %dma_wait3A_69 : memref<1x!tpu.dma_semaphore, #tpu.memory_space<semaphore_mem>> -> memref<!tpu.dma_semaphore, #tpu.memory_space<semaphore_mem>>
      tpu.wait_indirect_dma semaphore(%dma_wait3A_70 : memref<!tpu.dma_semaphore, #tpu.memory_space<semaphore_mem>>) src(%dma_wait3A_68 : memref<40000x32xf32, #tpu.memory_space<hbm>>) dst(%arg10 : memref<128x32xf32, #tpu.memory_space<vmem>>)
      %dma_start3A_71 = arith.constant 0 : i32
      %dma_start3A_72 = arith.constant 0 : i32
      %dma_start3A_73 = tpu.memref_slice %arg9[%add3A_62, %dma_start3A_72] : memref<80x128xi32, #tpu.memory_space<vmem>> -> memref<1x128xi32, #tpu.memory_space<vmem>>
      %dma_start3A_74 = tpu.memref_squeeze %dma_start3A_73 : memref<1x128xi32, #tpu.memory_space<vmem>> -> memref<128xi32, #tpu.memory_space<vmem>>
      %dma_start3A_75 = arith.constant 0 : i32
      %dma_start3A_76 = arith.constant 0 : i32
      %dma_start3A_77 = tpu.memref_slice %arg7[%dma_start3A_75, %dma_start3A_76] : memref<40064x32xf32, #tpu.memory_space<vmem_shared>> -> memref<40064x32xf32, #tpu.memory_space<vmem_shared>>
      %dma_start3A_78 = tpu.memref_slice %arg16[%dma_start3A_71] : memref<5x!tpu.dma_semaphore, #tpu.memory_space<semaphore_mem>> -> memref<1x!tpu.dma_semaphore, #tpu.memory_space<semaphore_mem>>
      %dma_start3A_79 = tpu.memref_squeeze %dma_start3A_78 : memref<1x!tpu.dma_semaphore, #tpu.memory_space<semaphore_mem>> -> memref<!tpu.dma_semaphore, #tpu.memory_space<semaphore_mem>>
      tpu.enqueue_indirect_dma source(%arg10 : memref<128x32xf32, #tpu.memory_space<vmem>>) target(%dma_start3A_77 : memref<40064x32xf32, #tpu.memory_space<vmem_shared>>) offsets(%dma_start3A_74 : memref<128xi32, #tpu.memory_space<vmem>>) semaphore(%dma_start3A_79 : memref<!tpu.dma_semaphore, #tpu.memory_space<semaphore_mem>>) {add = true}
      %mul3A_80 = arith.constant 5 : i32
      %mul3A_81 = arith.muli %scan3A_58, %mul3A_80 : i32
      %add3A_82 = arith.constant 1 : i32
      %add3A_83 = arith.addi %mul3A_81, %add3A_82 : i32
      %dma_wait3A_84 = arith.constant 1 : i32
      %dma_wait3A_85 = arith.constant 0 : i32
      %dma_wait3A_86 = tpu.memref_slice %arg8[%add3A_83, %dma_wait3A_85] : memref<80x128xi32, #tpu.memory_space<vmem>> -> memref<1x128xi32, #tpu.memory_space<vmem>>
      %dma_wait3A_87 = tpu.memref_squeeze %dma_wait3A_86 : memref<1x128xi32, #tpu.memory_space<vmem>> -> memref<128xi32, #tpu.memory_space<vmem>>
      %dma_wait3A_88 = arith.constant 0 : i32
      %dma_wait3A_89 = arith.constant 0 : i32
      %dma_wait3A_90 = tpu.memref_slice %arg2[%dma_wait3A_88, %dma_wait3A_89] : memref<40000x32xf32, #tpu.memory_space<hbm>> -> memref<40000x32xf32, #tpu.memory_space<hbm>>
      %dma_wait3A_91 = tpu.memref_slice %arg15[%dma_wait3A_84] : memref<5x!tpu.dma_semaphore, #tpu.memory_space<semaphore_mem>> -> memref<1x!tpu.dma_semaphore, #tpu.memory_space<semaphore_mem>>
      %dma_wait3A_92 = tpu.memref_squeeze %dma_wait3A_91 : memref<1x!tpu.dma_semaphore, #tpu.memory_space<semaphore_mem>> -> memref<!tpu.dma_semaphore, #tpu.memory_space<semaphore_mem>>
      tpu.wait_indirect_dma semaphore(%dma_wait3A_92 : memref<!tpu.dma_semaphore, #tpu.memory_space<semaphore_mem>>) src(%dma_wait3A_90 : memref<40000x32xf32, #tpu.memory_space<hbm>>) dst(%arg11 : memref<128x32xf32, #tpu.memory_space<vmem>>)
      %dma_start3A_93 = arith.constant 1 : i32
      %dma_start3A_94 = arith.constant 0 : i32
      %dma_start3A_95 = tpu.memref_slice %arg9[%add3A_83, %dma_start3A_94] : memref<80x128xi32, #tpu.memory_space<vmem>> -> memref<1x128xi32, #tpu.memory_space<vmem>>
      %dma_start3A_96 = tpu.memref_squeeze %dma_start3A_95 : memref<1x128xi32, #tpu.memory_space<vmem>> -> memref<128xi32, #tpu.memory_space<vmem>>
      %dma_start3A_97 = arith.constant 0 : i32
      %dma_start3A_98 = arith.constant 0 : i32
      %dma_start3A_99 = tpu.memref_slice %arg7[%dma_start3A_97, %dma_start3A_98] : memref<40064x32xf32, #tpu.memory_space<vmem_shared>> -> memref<40064x32xf32, #tpu.memory_space<vmem_shared>>
      %dma_start3A_100 = tpu.memref_slice %arg16[%dma_start3A_93] : memref<5x!tpu.dma_semaphore, #tpu.memory_space<semaphore_mem>> -> memref<1x!tpu.dma_semaphore, #tpu.memory_space<semaphore_mem>>
      %dma_start3A_101 = tpu.memref_squeeze %dma_start3A_100 : memref<1x!tpu.dma_semaphore, #tpu.memory_space<semaphore_mem>> -> memref<!tpu.dma_semaphore, #tpu.memory_space<semaphore_mem>>
      tpu.enqueue_indirect_dma source(%arg11 : memref<128x32xf32, #tpu.memory_space<vmem>>) target(%dma_start3A_99 : memref<40064x32xf32, #tpu.memory_space<vmem_shared>>) offsets(%dma_start3A_96 : memref<128xi32, #tpu.memory_space<vmem>>) semaphore(%dma_start3A_101 : memref<!tpu.dma_semaphore, #tpu.memory_space<semaphore_mem>>) {add = true}
      %mul3A_102 = arith.constant 5 : i32
      %mul3A_103 = arith.muli %scan3A_58, %mul3A_102 : i32
      %add3A_104 = arith.constant 2 : i32
      %add3A_105 = arith.addi %mul3A_103, %add3A_104 : i32
      %dma_wait3A_106 = arith.constant 2 : i32
      %dma_wait3A_107 = arith.constant 0 : i32
      %dma_wait3A_108 = tpu.memref_slice %arg8[%add3A_105, %dma_wait3A_107] : memref<80x128xi32, #tpu.memory_space<vmem>> -> memref<1x128xi32, #tpu.memory_space<vmem>>
      %dma_wait3A_109 = tpu.memref_squeeze %dma_wait3A_108 : memref<1x128xi32, #tpu.memory_space<vmem>> -> memref<128xi32, #tpu.memory_space<vmem>>
      %dma_wait3A_110 = arith.constant 0 : i32
      %dma_wait3A_111 = arith.constant 0 : i32
      %dma_wait3A_112 = tpu.memref_slice %arg2[%dma_wait3A_110, %dma_wait3A_111] : memref<40000x32xf32, #tpu.memory_space<hbm>> -> memref<40000x32xf32, #tpu.memory_space<hbm>>
      %dma_wait3A_113 = tpu.memref_slice %arg15[%dma_wait3A_106] : memref<5x!tpu.dma_semaphore, #tpu.memory_space<semaphore_mem>> -> memref<1x!tpu.dma_semaphore, #tpu.memory_space<semaphore_mem>>
      %dma_wait3A_114 = tpu.memref_squeeze %dma_wait3A_113 : memref<1x!tpu.dma_semaphore, #tpu.memory_space<semaphore_mem>> -> memref<!tpu.dma_semaphore, #tpu.memory_space<semaphore_mem>>
      tpu.wait_indirect_dma semaphore(%dma_wait3A_114 : memref<!tpu.dma_semaphore, #tpu.memory_space<semaphore_mem>>) src(%dma_wait3A_112 : memref<40000x32xf32, #tpu.memory_space<hbm>>) dst(%arg12 : memref<128x32xf32, #tpu.memory_space<vmem>>)
      %dma_start3A_115 = arith.constant 2 : i32
      %dma_start3A_116 = arith.constant 0 : i32
      %dma_start3A_117 = tpu.memref_slice %arg9[%add3A_105, %dma_start3A_116] : memref<80x128xi32, #tpu.memory_space<vmem>> -> memref<1x128xi32, #tpu.memory_space<vmem>>
      %dma_start3A_118 = tpu.memref_squeeze %dma_start3A_117 : memref<1x128xi32, #tpu.memory_space<vmem>> -> memref<128xi32, #tpu.memory_space<vmem>>
      %dma_start3A_119 = arith.constant 0 : i32
      %dma_start3A_120 = arith.constant 0 : i32
      %dma_start3A_121 = tpu.memref_slice %arg7[%dma_start3A_119, %dma_start3A_120] : memref<40064x32xf32, #tpu.memory_space<vmem_shared>> -> memref<40064x32xf32, #tpu.memory_space<vmem_shared>>
      %dma_start3A_122 = tpu.memref_slice %arg16[%dma_start3A_115] : memref<5x!tpu.dma_semaphore, #tpu.memory_space<semaphore_mem>> -> memref<1x!tpu.dma_semaphore, #tpu.memory_space<semaphore_mem>>
      %dma_start3A_123 = tpu.memref_squeeze %dma_start3A_122 : memref<1x!tpu.dma_semaphore, #tpu.memory_space<semaphore_mem>> -> memref<!tpu.dma_semaphore, #tpu.memory_space<semaphore_mem>>
      tpu.enqueue_indirect_dma source(%arg12 : memref<128x32xf32, #tpu.memory_space<vmem>>) target(%dma_start3A_121 : memref<40064x32xf32, #tpu.memory_space<vmem_shared>>) offsets(%dma_start3A_118 : memref<128xi32, #tpu.memory_space<vmem>>) semaphore(%dma_start3A_123 : memref<!tpu.dma_semaphore, #tpu.memory_space<semaphore_mem>>) {add = true}
      %mul3A_124 = arith.constant 5 : i32
      %mul3A_125 = arith.muli %scan3A_58, %mul3A_124 : i32
      %add3A_126 = arith.constant 3 : i32
      %add3A_127 = arith.addi %mul3A_125, %add3A_126 : i32
      %dma_wait3A_128 = arith.constant 3 : i32
      %dma_wait3A_129 = arith.constant 0 : i32
      %dma_wait3A_130 = tpu.memref_slice %arg8[%add3A_127, %dma_wait3A_129] : memref<80x128xi32, #tpu.memory_space<vmem>> -> memref<1x128xi32, #tpu.memory_space<vmem>>
      %dma_wait3A_131 = tpu.memref_squeeze %dma_wait3A_130 : memref<1x128xi32, #tpu.memory_space<vmem>> -> memref<128xi32, #tpu.memory_space<vmem>>
      %dma_wait3A_132 = arith.constant 0 : i32
      %dma_wait3A_133 = arith.constant 0 : i32
      %dma_wait3A_134 = tpu.memref_slice %arg2[%dma_wait3A_132, %dma_wait3A_133] : memref<40000x32xf32, #tpu.memory_space<hbm>> -> memref<40000x32xf32, #tpu.memory_space<hbm>>
      %dma_wait3A_135 = tpu.memref_slice %arg15[%dma_wait3A_128] : memref<5x!tpu.dma_semaphore, #tpu.memory_space<semaphore_mem>> -> memref<1x!tpu.dma_semaphore, #tpu.memory_space<semaphore_mem>>
      %dma_wait3A_136 = tpu.memref_squeeze %dma_wait3A_135 : memref<1x!tpu.dma_semaphore, #tpu.memory_space<semaphore_mem>> -> memref<!tpu.dma_semaphore, #tpu.memory_space<semaphore_mem>>
      tpu.wait_indirect_dma semaphore(%dma_wait3A_136 : memref<!tpu.dma_semaphore, #tpu.memory_space<semaphore_mem>>) src(%dma_wait3A_134 : memref<40000x32xf32, #tpu.memory_space<hbm>>) dst(%arg13 : memref<128x32xf32, #tpu.memory_space<vmem>>)
      %dma_start3A_137 = arith.constant 3 : i32
      %dma_start3A_138 = arith.constant 0 : i32
      %dma_start3A_139 = tpu.memref_slice %arg9[%add3A_127, %dma_start3A_138] : memref<80x128xi32, #tpu.memory_space<vmem>> -> memref<1x128xi32, #tpu.memory_space<vmem>>
      %dma_start3A_140 = tpu.memref_squeeze %dma_start3A_139 : memref<1x128xi32, #tpu.memory_space<vmem>> -> memref<128xi32, #tpu.memory_space<vmem>>
      %dma_start3A_141 = arith.constant 0 : i32
      %dma_start3A_142 = arith.constant 0 : i32
      %dma_start3A_143 = tpu.memref_slice %arg7[%dma_start3A_141, %dma_start3A_142] : memref<40064x32xf32, #tpu.memory_space<vmem_shared>> -> memref<40064x32xf32, #tpu.memory_space<vmem_shared>>
      %dma_start3A_144 = tpu.memref_slice %arg16[%dma_start3A_137] : memref<5x!tpu.dma_semaphore, #tpu.memory_space<semaphore_mem>> -> memref<1x!tpu.dma_semaphore, #tpu.memory_space<semaphore_mem>>
      %dma_start3A_145 = tpu.memref_squeeze %dma_start3A_144 : memref<1x!tpu.dma_semaphore, #tpu.memory_space<semaphore_mem>> -> memref<!tpu.dma_semaphore, #tpu.memory_space<semaphore_mem>>
      tpu.enqueue_indirect_dma source(%arg13 : memref<128x32xf32, #tpu.memory_space<vmem>>) target(%dma_start3A_143 : memref<40064x32xf32, #tpu.memory_space<vmem_shared>>) offsets(%dma_start3A_140 : memref<128xi32, #tpu.memory_space<vmem>>) semaphore(%dma_start3A_145 : memref<!tpu.dma_semaphore, #tpu.memory_space<semaphore_mem>>) {add = true}
      %mul3A_146 = arith.constant 5 : i32
      %mul3A_147 = arith.muli %scan3A_58, %mul3A_146 : i32
      %add3A_148 = arith.constant 4 : i32
      %add3A_149 = arith.addi %mul3A_147, %add3A_148 : i32
      %dma_wait3A_150 = arith.constant 4 : i32
      %dma_wait3A_151 = arith.constant 0 : i32
      %dma_wait3A_152 = tpu.memref_slice %arg8[%add3A_149, %dma_wait3A_151] : memref<80x128xi32, #tpu.memory_space<vmem>> -> memref<1x128xi32, #tpu.memory_space<vmem>>
      %dma_wait3A_153 = tpu.memref_squeeze %dma_wait3A_152 : memref<1x128xi32, #tpu.memory_space<vmem>> -> memref<128xi32, #tpu.memory_space<vmem>>
      %dma_wait3A_154 = arith.constant 0 : i32
      %dma_wait3A_155 = arith.constant 0 : i32
      %dma_wait3A_156 = tpu.memref_slice %arg2[%dma_wait3A_154, %dma_wait3A_155] : memref<40000x32xf32, #tpu.memory_space<hbm>> -> memref<40000x32xf32, #tpu.memory_space<hbm>>
      %dma_wait3A_157 = tpu.memref_slice %arg15[%dma_wait3A_150] : memref<5x!tpu.dma_semaphore, #tpu.memory_space<semaphore_mem>> -> memref<1x!tpu.dma_semaphore, #tpu.memory_space<semaphore_mem>>
      %dma_wait3A_158 = tpu.memref_squeeze %dma_wait3A_157 : memref<1x!tpu.dma_semaphore, #tpu.memory_space<semaphore_mem>> -> memref<!tpu.dma_semaphore, #tpu.memory_space<semaphore_mem>>
      tpu.wait_indirect_dma semaphore(%dma_wait3A_158 : memref<!tpu.dma_semaphore, #tpu.memory_space<semaphore_mem>>) src(%dma_wait3A_156 : memref<40000x32xf32, #tpu.memory_space<hbm>>) dst(%arg14 : memref<128x32xf32, #tpu.memory_space<vmem>>)
      %dma_start3A_159 = arith.constant 4 : i32
      %dma_start3A_160 = arith.constant 0 : i32
      %dma_start3A_161 = tpu.memref_slice %arg9[%add3A_149, %dma_start3A_160] : memref<80x128xi32, #tpu.memory_space<vmem>> -> memref<1x128xi32, #tpu.memory_space<vmem>>
      %dma_start3A_162 = tpu.memref_squeeze %dma_start3A_161 : memref<1x128xi32, #tpu.memory_space<vmem>> -> memref<128xi32, #tpu.memory_space<vmem>>
      %dma_start3A_163 = arith.constant 0 : i32
      %dma_start3A_164 = arith.constant 0 : i32
      %dma_start3A_165 = tpu.memref_slice %arg7[%dma_start3A_163, %dma_start3A_164] : memref<40064x32xf32, #tpu.memory_space<vmem_shared>> -> memref<40064x32xf32, #tpu.memory_space<vmem_shared>>
      %dma_start3A_166 = tpu.memref_slice %arg16[%dma_start3A_159] : memref<5x!tpu.dma_semaphore, #tpu.memory_space<semaphore_mem>> -> memref<1x!tpu.dma_semaphore, #tpu.memory_space<semaphore_mem>>
      %dma_start3A_167 = tpu.memref_squeeze %dma_start3A_166 : memref<1x!tpu.dma_semaphore, #tpu.memory_space<semaphore_mem>> -> memref<!tpu.dma_semaphore, #tpu.memory_space<semaphore_mem>>
      tpu.enqueue_indirect_dma source(%arg14 : memref<128x32xf32, #tpu.memory_space<vmem>>) target(%dma_start3A_165 : memref<40064x32xf32, #tpu.memory_space<vmem_shared>>) offsets(%dma_start3A_162 : memref<128xi32, #tpu.memory_space<vmem>>) semaphore(%dma_start3A_167 : memref<!tpu.dma_semaphore, #tpu.memory_space<semaphore_mem>>) {add = true}
      %mul3A_168 = arith.constant 5 : i32
      %mul3A_169 = arith.muli %scan3A_58, %mul3A_168 : i32
      %add3A_170 = arith.constant 0 : i32
      %add3A_171 = arith.addi %mul3A_169, %add3A_170 : i32
      %dma_wait3A_172 = arith.constant 0 : i32
      %dma_wait3A_173 = arith.constant 0 : i32
      %dma_wait3A_174 = tpu.memref_slice %arg9[%add3A_171, %dma_wait3A_173] : memref<80x128xi32, #tpu.memory_space<vmem>> -> memref<1x128xi32, #tpu.memory_space<vmem>>
      %dma_wait3A_175 = tpu.memref_squeeze %dma_wait3A_174 : memref<1x128xi32, #tpu.memory_space<vmem>> -> memref<128xi32, #tpu.memory_space<vmem>>
      %dma_wait3A_176 = arith.constant 0 : i32
      %dma_wait3A_177 = arith.constant 0 : i32
      %dma_wait3A_178 = tpu.memref_slice %arg7[%dma_wait3A_176, %dma_wait3A_177] : memref<40064x32xf32, #tpu.memory_space<vmem_shared>> -> memref<40064x32xf32, #tpu.memory_space<vmem_shared>>
      %dma_wait3A_179 = tpu.memref_slice %arg16[%dma_wait3A_172] : memref<5x!tpu.dma_semaphore, #tpu.memory_space<semaphore_mem>> -> memref<1x!tpu.dma_semaphore, #tpu.memory_space<semaphore_mem>>
      %dma_wait3A_180 = tpu.memref_squeeze %dma_wait3A_179 : memref<1x!tpu.dma_semaphore, #tpu.memory_space<semaphore_mem>> -> memref<!tpu.dma_semaphore, #tpu.memory_space<semaphore_mem>>
      tpu.wait_indirect_dma semaphore(%dma_wait3A_180 : memref<!tpu.dma_semaphore, #tpu.memory_space<semaphore_mem>>) src(%arg10 : memref<128x32xf32, #tpu.memory_space<vmem>>) dst(%dma_wait3A_178 : memref<40064x32xf32, #tpu.memory_space<vmem_shared>>)
      %lt3A = arith.constant 15 : i32
      %lt3A_181 = arith.cmpi slt, %scan3A_58, %lt3A : i32
      %convert_element_type3A = arith.extui %lt3A_181 : i1 to i32
      %cond3A = arith.constant 0 : i32
      %cond3A_182 = arith.cmpi ne, %convert_element_type3A, %cond3A : i32
      scf.if %cond3A_182 {
        %add3A_255 = arith.constant 5 : i32
        %add3A_256 = arith.addi %add3A_171, %add3A_255 : i32
        %dma_start3A_257 = arith.constant 0 : i32
        %dma_start3A_258 = arith.constant 0 : i32
        %dma_start3A_259 = tpu.memref_slice %arg8[%add3A_256, %dma_start3A_258] : memref<80x128xi32, #tpu.memory_space<vmem>> -> memref<1x128xi32, #tpu.memory_space<vmem>>
        %dma_start3A_260 = tpu.memref_squeeze %dma_start3A_259 : memref<1x128xi32, #tpu.memory_space<vmem>> -> memref<128xi32, #tpu.memory_space<vmem>>
        %dma_start3A_261 = arith.constant 0 : i32
        %dma_start3A_262 = arith.constant 0 : i32
        %dma_start3A_263 = tpu.memref_slice %arg2[%dma_start3A_261, %dma_start3A_262] : memref<40000x32xf32, #tpu.memory_space<hbm>> -> memref<40000x32xf32, #tpu.memory_space<hbm>>
        %dma_start3A_264 = tpu.memref_slice %arg15[%dma_start3A_257] : memref<5x!tpu.dma_semaphore, #tpu.memory_space<semaphore_mem>> -> memref<1x!tpu.dma_semaphore, #tpu.memory_space<semaphore_mem>>
        %dma_start3A_265 = tpu.memref_squeeze %dma_start3A_264 : memref<1x!tpu.dma_semaphore, #tpu.memory_space<semaphore_mem>> -> memref<!tpu.dma_semaphore, #tpu.memory_space<semaphore_mem>>
        tpu.enqueue_indirect_dma source(%dma_start3A_263 : memref<40000x32xf32, #tpu.memory_space<hbm>>) target(%arg10 : memref<128x32xf32, #tpu.memory_space<vmem>>) offsets(%dma_start3A_260 : memref<128xi32, #tpu.memory_space<vmem>>) semaphore(%dma_start3A_265 : memref<!tpu.dma_semaphore, #tpu.memory_space<semaphore_mem>>)
      } else {
      }
      %mul3A_183 = arith.constant 5 : i32
      %mul3A_184 = arith.muli %scan3A_58, %mul3A_183 : i32
      %add3A_185 = arith.constant 1 : i32
      %add3A_186 = arith.addi %mul3A_184, %add3A_185 : i32
      %dma_wait3A_187 = arith.constant 1 : i32
      %dma_wait3A_188 = arith.constant 0 : i32
      %dma_wait3A_189 = tpu.memref_slice %arg9[%add3A_186, %dma_wait3A_188] : memref<80x128xi32, #tpu.memory_space<vmem>> -> memref<1x128xi32, #tpu.memory_space<vmem>>
      %dma_wait3A_190 = tpu.memref_squeeze %dma_wait3A_189 : memref<1x128xi32, #tpu.memory_space<vmem>> -> memref<128xi32, #tpu.memory_space<vmem>>
      %dma_wait3A_191 = arith.constant 0 : i32
      %dma_wait3A_192 = arith.constant 0 : i32
      %dma_wait3A_193 = tpu.memref_slice %arg7[%dma_wait3A_191, %dma_wait3A_192] : memref<40064x32xf32, #tpu.memory_space<vmem_shared>> -> memref<40064x32xf32, #tpu.memory_space<vmem_shared>>
      %dma_wait3A_194 = tpu.memref_slice %arg16[%dma_wait3A_187] : memref<5x!tpu.dma_semaphore, #tpu.memory_space<semaphore_mem>> -> memref<1x!tpu.dma_semaphore, #tpu.memory_space<semaphore_mem>>
      %dma_wait3A_195 = tpu.memref_squeeze %dma_wait3A_194 : memref<1x!tpu.dma_semaphore, #tpu.memory_space<semaphore_mem>> -> memref<!tpu.dma_semaphore, #tpu.memory_space<semaphore_mem>>
      tpu.wait_indirect_dma semaphore(%dma_wait3A_195 : memref<!tpu.dma_semaphore, #tpu.memory_space<semaphore_mem>>) src(%arg11 : memref<128x32xf32, #tpu.memory_space<vmem>>) dst(%dma_wait3A_193 : memref<40064x32xf32, #tpu.memory_space<vmem_shared>>)
      %lt3A_196 = arith.constant 15 : i32
      %lt3A_197 = arith.cmpi slt, %scan3A_58, %lt3A_196 : i32
      %convert_element_type3A_198 = arith.extui %lt3A_197 : i1 to i32
      %cond3A_199 = arith.constant 0 : i32
      %cond3A_200 = arith.cmpi ne, %convert_element_type3A_198, %cond3A_199 : i32
      scf.if %cond3A_200 {
        %add3A_255 = arith.constant 5 : i32
        %add3A_256 = arith.addi %add3A_186, %add3A_255 : i32
        %dma_start3A_257 = arith.constant 1 : i32
        %dma_start3A_258 = arith.constant 0 : i32
        %dma_start3A_259 = tpu.memref_slice %arg8[%add3A_256, %dma_start3A_258] : memref<80x128xi32, #tpu.memory_space<vmem>> -> memref<1x128xi32, #tpu.memory_space<vmem>>
        %dma_start3A_260 = tpu.memref_squeeze %dma_start3A_259 : memref<1x128xi32, #tpu.memory_space<vmem>> -> memref<128xi32, #tpu.memory_space<vmem>>
        %dma_start3A_261 = arith.constant 0 : i32
        %dma_start3A_262 = arith.constant 0 : i32
        %dma_start3A_263 = tpu.memref_slice %arg2[%dma_start3A_261, %dma_start3A_262] : memref<40000x32xf32, #tpu.memory_space<hbm>> -> memref<40000x32xf32, #tpu.memory_space<hbm>>
        %dma_start3A_264 = tpu.memref_slice %arg15[%dma_start3A_257] : memref<5x!tpu.dma_semaphore, #tpu.memory_space<semaphore_mem>> -> memref<1x!tpu.dma_semaphore, #tpu.memory_space<semaphore_mem>>
        %dma_start3A_265 = tpu.memref_squeeze %dma_start3A_264 : memref<1x!tpu.dma_semaphore, #tpu.memory_space<semaphore_mem>> -> memref<!tpu.dma_semaphore, #tpu.memory_space<semaphore_mem>>
        tpu.enqueue_indirect_dma source(%dma_start3A_263 : memref<40000x32xf32, #tpu.memory_space<hbm>>) target(%arg11 : memref<128x32xf32, #tpu.memory_space<vmem>>) offsets(%dma_start3A_260 : memref<128xi32, #tpu.memory_space<vmem>>) semaphore(%dma_start3A_265 : memref<!tpu.dma_semaphore, #tpu.memory_space<semaphore_mem>>)
      } else {
      }
      %mul3A_201 = arith.constant 5 : i32
      %mul3A_202 = arith.muli %scan3A_58, %mul3A_201 : i32
      %add3A_203 = arith.constant 2 : i32
      %add3A_204 = arith.addi %mul3A_202, %add3A_203 : i32
      %dma_wait3A_205 = arith.constant 2 : i32
      %dma_wait3A_206 = arith.constant 0 : i32
      %dma_wait3A_207 = tpu.memref_slice %arg9[%add3A_204, %dma_wait3A_206] : memref<80x128xi32, #tpu.memory_space<vmem>> -> memref<1x128xi32, #tpu.memory_space<vmem>>
      %dma_wait3A_208 = tpu.memref_squeeze %dma_wait3A_207 : memref<1x128xi32, #tpu.memory_space<vmem>> -> memref<128xi32, #tpu.memory_space<vmem>>
      %dma_wait3A_209 = arith.constant 0 : i32
      %dma_wait3A_210 = arith.constant 0 : i32
      %dma_wait3A_211 = tpu.memref_slice %arg7[%dma_wait3A_209, %dma_wait3A_210] : memref<40064x32xf32, #tpu.memory_space<vmem_shared>> -> memref<40064x32xf32, #tpu.memory_space<vmem_shared>>
      %dma_wait3A_212 = tpu.memref_slice %arg16[%dma_wait3A_205] : memref<5x!tpu.dma_semaphore, #tpu.memory_space<semaphore_mem>> -> memref<1x!tpu.dma_semaphore, #tpu.memory_space<semaphore_mem>>
      %dma_wait3A_213 = tpu.memref_squeeze %dma_wait3A_212 : memref<1x!tpu.dma_semaphore, #tpu.memory_space<semaphore_mem>> -> memref<!tpu.dma_semaphore, #tpu.memory_space<semaphore_mem>>
      tpu.wait_indirect_dma semaphore(%dma_wait3A_213 : memref<!tpu.dma_semaphore, #tpu.memory_space<semaphore_mem>>) src(%arg12 : memref<128x32xf32, #tpu.memory_space<vmem>>) dst(%dma_wait3A_211 : memref<40064x32xf32, #tpu.memory_space<vmem_shared>>)
      %lt3A_214 = arith.constant 15 : i32
      %lt3A_215 = arith.cmpi slt, %scan3A_58, %lt3A_214 : i32
      %convert_element_type3A_216 = arith.extui %lt3A_215 : i1 to i32
      %cond3A_217 = arith.constant 0 : i32
      %cond3A_218 = arith.cmpi ne, %convert_element_type3A_216, %cond3A_217 : i32
      scf.if %cond3A_218 {
        %add3A_255 = arith.constant 5 : i32
        %add3A_256 = arith.addi %add3A_204, %add3A_255 : i32
        %dma_start3A_257 = arith.constant 2 : i32
        %dma_start3A_258 = arith.constant 0 : i32
        %dma_start3A_259 = tpu.memref_slice %arg8[%add3A_256, %dma_start3A_258] : memref<80x128xi32, #tpu.memory_space<vmem>> -> memref<1x128xi32, #tpu.memory_space<vmem>>
        %dma_start3A_260 = tpu.memref_squeeze %dma_start3A_259 : memref<1x128xi32, #tpu.memory_space<vmem>> -> memref<128xi32, #tpu.memory_space<vmem>>
        %dma_start3A_261 = arith.constant 0 : i32
        %dma_start3A_262 = arith.constant 0 : i32
        %dma_start3A_263 = tpu.memref_slice %arg2[%dma_start3A_261, %dma_start3A_262] : memref<40000x32xf32, #tpu.memory_space<hbm>> -> memref<40000x32xf32, #tpu.memory_space<hbm>>
        %dma_start3A_264 = tpu.memref_slice %arg15[%dma_start3A_257] : memref<5x!tpu.dma_semaphore, #tpu.memory_space<semaphore_mem>> -> memref<1x!tpu.dma_semaphore, #tpu.memory_space<semaphore_mem>>
        %dma_start3A_265 = tpu.memref_squeeze %dma_start3A_264 : memref<1x!tpu.dma_semaphore, #tpu.memory_space<semaphore_mem>> -> memref<!tpu.dma_semaphore, #tpu.memory_space<semaphore_mem>>
        tpu.enqueue_indirect_dma source(%dma_start3A_263 : memref<40000x32xf32, #tpu.memory_space<hbm>>) target(%arg12 : memref<128x32xf32, #tpu.memory_space<vmem>>) offsets(%dma_start3A_260 : memref<128xi32, #tpu.memory_space<vmem>>) semaphore(%dma_start3A_265 : memref<!tpu.dma_semaphore, #tpu.memory_space<semaphore_mem>>)
      } else {
      }
      %mul3A_219 = arith.constant 5 : i32
      %mul3A_220 = arith.muli %scan3A_58, %mul3A_219 : i32
      %add3A_221 = arith.constant 3 : i32
      %add3A_222 = arith.addi %mul3A_220, %add3A_221 : i32
      %dma_wait3A_223 = arith.constant 3 : i32
      %dma_wait3A_224 = arith.constant 0 : i32
      %dma_wait3A_225 = tpu.memref_slice %arg9[%add3A_222, %dma_wait3A_224] : memref<80x128xi32, #tpu.memory_space<vmem>> -> memref<1x128xi32, #tpu.memory_space<vmem>>
      %dma_wait3A_226 = tpu.memref_squeeze %dma_wait3A_225 : memref<1x128xi32, #tpu.memory_space<vmem>> -> memref<128xi32, #tpu.memory_space<vmem>>
      %dma_wait3A_227 = arith.constant 0 : i32
      %dma_wait3A_228 = arith.constant 0 : i32
      %dma_wait3A_229 = tpu.memref_slice %arg7[%dma_wait3A_227, %dma_wait3A_228] : memref<40064x32xf32, #tpu.memory_space<vmem_shared>> -> memref<40064x32xf32, #tpu.memory_space<vmem_shared>>
      %dma_wait3A_230 = tpu.memref_slice %arg16[%dma_wait3A_223] : memref<5x!tpu.dma_semaphore, #tpu.memory_space<semaphore_mem>> -> memref<1x!tpu.dma_semaphore, #tpu.memory_space<semaphore_mem>>
      %dma_wait3A_231 = tpu.memref_squeeze %dma_wait3A_230 : memref<1x!tpu.dma_semaphore, #tpu.memory_space<semaphore_mem>> -> memref<!tpu.dma_semaphore, #tpu.memory_space<semaphore_mem>>
      tpu.wait_indirect_dma semaphore(%dma_wait3A_231 : memref<!tpu.dma_semaphore, #tpu.memory_space<semaphore_mem>>) src(%arg13 : memref<128x32xf32, #tpu.memory_space<vmem>>) dst(%dma_wait3A_229 : memref<40064x32xf32, #tpu.memory_space<vmem_shared>>)
      %lt3A_232 = arith.constant 15 : i32
      %lt3A_233 = arith.cmpi slt, %scan3A_58, %lt3A_232 : i32
      %convert_element_type3A_234 = arith.extui %lt3A_233 : i1 to i32
      %cond3A_235 = arith.constant 0 : i32
      %cond3A_236 = arith.cmpi ne, %convert_element_type3A_234, %cond3A_235 : i32
      scf.if %cond3A_236 {
        %add3A_255 = arith.constant 5 : i32
        %add3A_256 = arith.addi %add3A_222, %add3A_255 : i32
        %dma_start3A_257 = arith.constant 3 : i32
        %dma_start3A_258 = arith.constant 0 : i32
        %dma_start3A_259 = tpu.memref_slice %arg8[%add3A_256, %dma_start3A_258] : memref<80x128xi32, #tpu.memory_space<vmem>> -> memref<1x128xi32, #tpu.memory_space<vmem>>
        %dma_start3A_260 = tpu.memref_squeeze %dma_start3A_259 : memref<1x128xi32, #tpu.memory_space<vmem>> -> memref<128xi32, #tpu.memory_space<vmem>>
        %dma_start3A_261 = arith.constant 0 : i32
        %dma_start3A_262 = arith.constant 0 : i32
        %dma_start3A_263 = tpu.memref_slice %arg2[%dma_start3A_261, %dma_start3A_262] : memref<40000x32xf32, #tpu.memory_space<hbm>> -> memref<40000x32xf32, #tpu.memory_space<hbm>>
        %dma_start3A_264 = tpu.memref_slice %arg15[%dma_start3A_257] : memref<5x!tpu.dma_semaphore, #tpu.memory_space<semaphore_mem>> -> memref<1x!tpu.dma_semaphore, #tpu.memory_space<semaphore_mem>>
        %dma_start3A_265 = tpu.memref_squeeze %dma_start3A_264 : memref<1x!tpu.dma_semaphore, #tpu.memory_space<semaphore_mem>> -> memref<!tpu.dma_semaphore, #tpu.memory_space<semaphore_mem>>
        tpu.enqueue_indirect_dma source(%dma_start3A_263 : memref<40000x32xf32, #tpu.memory_space<hbm>>) target(%arg13 : memref<128x32xf32, #tpu.memory_space<vmem>>) offsets(%dma_start3A_260 : memref<128xi32, #tpu.memory_space<vmem>>) semaphore(%dma_start3A_265 : memref<!tpu.dma_semaphore, #tpu.memory_space<semaphore_mem>>)
      } else {
      }
      %mul3A_237 = arith.constant 5 : i32
      %mul3A_238 = arith.muli %scan3A_58, %mul3A_237 : i32
      %add3A_239 = arith.constant 4 : i32
      %add3A_240 = arith.addi %mul3A_238, %add3A_239 : i32
      %dma_wait3A_241 = arith.constant 4 : i32
      %dma_wait3A_242 = arith.constant 0 : i32
      %dma_wait3A_243 = tpu.memref_slice %arg9[%add3A_240, %dma_wait3A_242] : memref<80x128xi32, #tpu.memory_space<vmem>> -> memref<1x128xi32, #tpu.memory_space<vmem>>
      %dma_wait3A_244 = tpu.memref_squeeze %dma_wait3A_243 : memref<1x128xi32, #tpu.memory_space<vmem>> -> memref<128xi32, #tpu.memory_space<vmem>>
      %dma_wait3A_245 = arith.constant 0 : i32
      %dma_wait3A_246 = arith.constant 0 : i32
      %dma_wait3A_247 = tpu.memref_slice %arg7[%dma_wait3A_245, %dma_wait3A_246] : memref<40064x32xf32, #tpu.memory_space<vmem_shared>> -> memref<40064x32xf32, #tpu.memory_space<vmem_shared>>
      %dma_wait3A_248 = tpu.memref_slice %arg16[%dma_wait3A_241] : memref<5x!tpu.dma_semaphore, #tpu.memory_space<semaphore_mem>> -> memref<1x!tpu.dma_semaphore, #tpu.memory_space<semaphore_mem>>
      %dma_wait3A_249 = tpu.memref_squeeze %dma_wait3A_248 : memref<1x!tpu.dma_semaphore, #tpu.memory_space<semaphore_mem>> -> memref<!tpu.dma_semaphore, #tpu.memory_space<semaphore_mem>>
      tpu.wait_indirect_dma semaphore(%dma_wait3A_249 : memref<!tpu.dma_semaphore, #tpu.memory_space<semaphore_mem>>) src(%arg14 : memref<128x32xf32, #tpu.memory_space<vmem>>) dst(%dma_wait3A_247 : memref<40064x32xf32, #tpu.memory_space<vmem_shared>>)
      %lt3A_250 = arith.constant 15 : i32
      %lt3A_251 = arith.cmpi slt, %scan3A_58, %lt3A_250 : i32
      %convert_element_type3A_252 = arith.extui %lt3A_251 : i1 to i32
      %cond3A_253 = arith.constant 0 : i32
      %cond3A_254 = arith.cmpi ne, %convert_element_type3A_252, %cond3A_253 : i32
      scf.if %cond3A_254 {
        %add3A_255 = arith.constant 5 : i32
        %add3A_256 = arith.addi %add3A_240, %add3A_255 : i32
        %dma_start3A_257 = arith.constant 4 : i32
        %dma_start3A_258 = arith.constant 0 : i32
        %dma_start3A_259 = tpu.memref_slice %arg8[%add3A_256, %dma_start3A_258] : memref<80x128xi32, #tpu.memory_space<vmem>> -> memref<1x128xi32, #tpu.memory_space<vmem>>
        %dma_start3A_260 = tpu.memref_squeeze %dma_start3A_259 : memref<1x128xi32, #tpu.memory_space<vmem>> -> memref<128xi32, #tpu.memory_space<vmem>>
        %dma_start3A_261 = arith.constant 0 : i32
        %dma_start3A_262 = arith.constant 0 : i32
        %dma_start3A_263 = tpu.memref_slice %arg2[%dma_start3A_261, %dma_start3A_262] : memref<40000x32xf32, #tpu.memory_space<hbm>> -> memref<40000x32xf32, #tpu.memory_space<hbm>>
        %dma_start3A_264 = tpu.memref_slice %arg15[%dma_start3A_257] : memref<5x!tpu.dma_semaphore, #tpu.memory_space<semaphore_mem>> -> memref<1x!tpu.dma_semaphore, #tpu.memory_space<semaphore_mem>>
        %dma_start3A_265 = tpu.memref_squeeze %dma_start3A_264 : memref<1x!tpu.dma_semaphore, #tpu.memory_space<semaphore_mem>> -> memref<!tpu.dma_semaphore, #tpu.memory_space<semaphore_mem>>
        tpu.enqueue_indirect_dma source(%dma_start3A_263 : memref<40000x32xf32, #tpu.memory_space<hbm>>) target(%arg14 : memref<128x32xf32, #tpu.memory_space<vmem>>) offsets(%dma_start3A_260 : memref<128xi32, #tpu.memory_space<vmem>>) semaphore(%dma_start3A_265 : memref<!tpu.dma_semaphore, #tpu.memory_space<semaphore_mem>>)
      } else {
      }
    }
    %scan3A_56 = arith.constant 16 : i32
    %barrier3A_57 = arith.constant 0 : index
    tpu.barrier barrier_id(%barrier3A_57)
    "tpu.region"() ({
      %run_scoped3A = tpu.sem_alloc : memref<!tpu.dma_semaphore, #tpu.memory_space<semaphore_mem>>
      %dma_start3A_58 = arith.constant 0 : i32
      %dma_start3A_59 = tpu.memref_slice %arg6[%arg0, %mul3A_2, %dma_start3A_58] : memref<2x40064x32xf32, #tpu.memory_space<hbm>> -> memref<1x2504x32xf32, #tpu.memory_space<hbm>>
      %dma_start3A_60 = tpu.memref_squeeze %dma_start3A_59 : memref<1x2504x32xf32, #tpu.memory_space<hbm>> -> memref<2504x32xf32, #tpu.memory_space<hbm>>
      %dma_start3A_61 = arith.constant 0 : i32
      %dma_start3A_62 = tpu.memref_slice %arg7[%mul3A_2, %dma_start3A_61] : memref<40064x32xf32, #tpu.memory_space<vmem_shared>> -> memref<2504x32xf32, #tpu.memory_space<vmem_shared>>
      tpu.enqueue_dma source(%dma_start3A_62 : memref<2504x32xf32, #tpu.memory_space<vmem_shared>>) target(%dma_start3A_60 : memref<2504x32xf32, #tpu.memory_space<hbm>>) target_semaphore(%run_scoped3A : memref<!tpu.dma_semaphore, #tpu.memory_space<semaphore_mem>>)
      %dma_wait3A = arith.constant 0 : i32
      %dma_wait3A_63 = tpu.memref_slice %arg6[%arg0, %mul3A_2, %dma_wait3A] : memref<2x40064x32xf32, #tpu.memory_space<hbm>> -> memref<1x2504x32xf32, #tpu.memory_space<hbm>>
      %dma_wait3A_64 = tpu.memref_squeeze %dma_wait3A_63 : memref<1x2504x32xf32, #tpu.memory_space<hbm>> -> memref<2504x32xf32, #tpu.memory_space<hbm>>
      %dma_wait3A_65 = arith.constant 0 : i32
      %dma_wait3A_66 = tpu.memref_slice %arg7[%mul3A_2, %dma_wait3A_65] : memref<40064x32xf32, #tpu.memory_space<vmem_shared>> -> memref<2504x32xf32, #tpu.memory_space<vmem_shared>>
      tpu.wait_dma2 semaphore(%run_scoped3A : memref<!tpu.dma_semaphore, #tpu.memory_space<semaphore_mem>>) src(%dma_wait3A_66 : memref<2504x32xf32, #tpu.memory_space<vmem_shared>>) dst(%dma_wait3A_64 : memref<2504x32xf32, #tpu.memory_space<hbm>>)
      tpu.yield
    }) : () -> ()
    return
  }
}

module attributes {stable_mosaic.version = 14 : i64} {
  func.func @_idx_body(%arg0: i32, %arg1: memref<2x2500x128xi32, #tpu.memory_space<vmem>>, %arg2: memref<2500x128xi32, #tpu.memory_space<vmem>>, %arg3: memref<2560x128xi32, #tpu.memory_space<vmem>>, %arg4: memref<2560x128xi32, #tpu.memory_space<vmem>>) attributes {dimension_semantics = [#tpu.dimension_semantics<arbitrary>], iteration_bounds = array<i64: 1>, scalar_prefetch = 0 : i64, scratch_operands = 0 : i64, tpu.core_type = #tpu.core_type<tc>, window_params = [{pipeline_mode = #tpu.pipeline_mode<synchronous>, transform_indices = @transform_0, window_bounds = array<i64: 2, 2500, 128>}, {pipeline_mode = #tpu.pipeline_mode<synchronous>, transform_indices = @transform_1, window_bounds = array<i64: 2500, 128>}, {pipeline_mode = #tpu.pipeline_mode<synchronous>, transform_indices = @transform_2, window_bounds = array<i64: 2560, 128>}, {pipeline_mode = #tpu.pipeline_mode<synchronous>, transform_indices = @transform_3, window_bounds = array<i64: 2560, 128>}]} {
    %get3A = arith.constant 0 : index
    %get3A_0 = arith.constant 0 : index
    %get3A_1 = vector.load %arg2[%get3A, %get3A_0] : memref<2500x128xi32, #tpu.memory_space<vmem>>, vector<2500x128xi32>
    %iota3A = tpu.iota {dimensions = array<i32: 0>} : vector<60x128xi32>
    %iota3A_2 = tpu.iota {dimensions = array<i32: 1>} : vector<60x128xi32>
    %mul3A = arith.constant 128 : i32
    %mul3A_3 = vector.broadcast %mul3A : i32 to vector<60x128xi32>
    %mul3A_4 = arith.muli %iota3A, %mul3A_3 : vector<60x128xi32>
    %add3A = arith.addi %mul3A_4, %iota3A_2 : vector<60x128xi32>
    %jit3A = arith.constant 64 : i32
    %eq3A = arith.constant 0 : i32
    %eq3A_5 = arith.cmpi eq, %jit3A, %eq3A : i32
    %jit3A_6 = arith.constant 1 : i32
    %select_n3A = arith.select %eq3A_5, %jit3A_6, %jit3A : i32
    %rem3A = vector.broadcast %select_n3A : i32 to vector<60x128xi32>
    %rem3A_7 = arith.remsi %add3A, %rem3A : vector<60x128xi32>
    %ne3A = arith.constant 0 : i32
    %ne3A_8 = vector.broadcast %ne3A : i32 to vector<60x128xi32>
    %ne3A_9 = arith.cmpi ne, %rem3A_7, %ne3A_8 : vector<60x128xi32>
    %lt3A = arith.constant 0 : i32
    %lt3A_10 = vector.broadcast %lt3A : i32 to vector<60x128xi32>
    %lt3A_11 = arith.cmpi slt, %rem3A_7, %lt3A_10 : vector<60x128xi32>
    %lt3A_12 = arith.constant 0 : i32
    %lt3A_13 = arith.cmpi slt, %select_n3A, %lt3A_12 : i32
    %ne3A_14 = vector.broadcast %lt3A_13 : i1 to vector<60x128xi1>
    %ne3A_15 = vector.broadcast %ne3A_14 : vector<60x128xi1> to vector<60x128xi1>
    %ne3A_16 = arith.xori %lt3A_11, %ne3A_15 : vector<60x128xi1>
    %and3A = arith.andi %ne3A_16, %ne3A_9 : vector<60x128xi1>
    %add3A_17 = vector.broadcast %select_n3A : i32 to vector<60x128xi32>
    %add3A_18 = arith.addi %rem3A_7, %add3A_17 : vector<60x128xi32>
    %select_n3A_19 = arith.select %and3A, %add3A_18, %rem3A_7 : vector<60x128xi1>, vector<60x128xi32>
    %get3A_20 = arith.constant 0 : index
    %get3A_21 = arith.constant 0 : index
    %get3A_22 = arith.constant 0 : index
    %get3A_23 = vector.load %arg1[%get3A_20, %get3A_21, %get3A_22] : memref<2x2500x128xi32, #tpu.memory_space<vmem>>, vector<1x2500x128xi32>
    %get3A_24 = vector.shape_cast %get3A_23 : vector<1x2500x128xi32> to vector<2500x128xi32>
    %mul3A_25 = arith.constant 4 : i32
    %mul3A_26 = vector.broadcast %mul3A_25 : i32 to vector<2500x128xi32>
    %mul3A_27 = arith.muli %get3A_24, %mul3A_26 : vector<2500x128xi32>
    %add3A_28 = arith.addi %mul3A_27, %get3A_1 : vector<2500x128xi32>
    %concatenate3A = tpu.concatenate %add3A_28, %select_n3A_19 in 0 : vector<2500x128xi32>, vector<60x128xi32> -> vector<2560x128xi32>
    %swap3A = arith.constant 0 : index
    %swap3A_29 = arith.constant 0 : index
    %swap3A_30 = vector.load %arg3[%swap3A, %swap3A_29] : memref<2560x128xi32, #tpu.memory_space<vmem>>, vector<2560x128xi32>
    tpu.vector_store %arg3[%swap3A, %swap3A_29], %concatenate3A {strides = array<i32>} : memref<2560x128xi32, #tpu.memory_space<vmem>>, vector<2560x128xi32>,
    %get3A_31 = arith.constant 1 : index
    %get3A_32 = arith.constant 0 : index
    %get3A_33 = arith.constant 0 : index
    %get3A_34 = vector.load %arg1[%get3A_31, %get3A_32, %get3A_33] : memref<2x2500x128xi32, #tpu.memory_space<vmem>>, vector<1x2500x128xi32>
    %get3A_35 = vector.shape_cast %get3A_34 : vector<1x2500x128xi32> to vector<2500x128xi32>
    %mul3A_36 = arith.constant 4 : i32
    %mul3A_37 = vector.broadcast %mul3A_36 : i32 to vector<2500x128xi32>
    %mul3A_38 = arith.muli %get3A_35, %mul3A_37 : vector<2500x128xi32>
    %add3A_39 = arith.addi %mul3A_38, %get3A_1 : vector<2500x128xi32>
    %add3A_40 = arith.constant 40000 : i32
    %add3A_41 = vector.broadcast %add3A_40 : i32 to vector<60x128xi32>
    %add3A_42 = arith.addi %add3A_41, %select_n3A_19 : vector<60x128xi32>
    %concatenate3A_43 = tpu.concatenate %add3A_39, %add3A_42 in 0 : vector<2500x128xi32>, vector<60x128xi32> -> vector<2560x128xi32>
    %swap3A_44 = arith.constant 0 : index
    %swap3A_45 = arith.constant 0 : index
    %swap3A_46 = vector.load %arg4[%swap3A_44, %swap3A_45] : memref<2560x128xi32, #tpu.memory_space<vmem>>, vector<2560x128xi32>
    tpu.vector_store %arg4[%swap3A_44, %swap3A_45], %concatenate3A_43 {strides = array<i32>} : memref<2560x128xi32, #tpu.memory_space<vmem>>, vector<2560x128xi32>,
    return
  }
  func.func @transform_0(%arg0: i32) -> (i32, i32, i32) {
    %c0_i32 = arith.constant 0 : i32
    %c0_i32_0 = arith.constant 0 : i32
    %c0_i32_1 = arith.constant 0 : i32
    %c0_i32_2 = arith.constant 0 : i32
    return %c0_i32, %c0_i32_0, %c0_i32_1 : i32, i32, i32
  }
  func.func @transform_1(%arg0: i32) -> (i32, i32) {
    %c0_i32 = arith.constant 0 : i32
    %c0_i32_0 = arith.constant 0 : i32
    %c0_i32_1 = arith.constant 0 : i32
    return %c0_i32, %c0_i32_0 : i32, i32
  }
  func.func @transform_2(%arg0: i32) -> (i32, i32) {
    %c0_i32 = arith.constant 0 : i32
    %c0_i32_0 = arith.constant 0 : i32
    %c0_i32_1 = arith.constant 0 : i32
    return %c0_i32, %c0_i32_0 : i32, i32
  }
  func.func @transform_3(%arg0: i32) -> (i32, i32) {
    %c0_i32 = arith.constant 0 : i32
    %c0_i32_0 = arith.constant 0 : i32
    %c0_i32_1 = arith.constant 0 : i32
    return %c0_i32, %c0_i32_0 : i32, i32
  }
}

module attributes {stable_mosaic.version = 14 : i64} {
  func.func @_y1_body(%arg0: i32, %arg1: memref<2000x128xf32, #tpu.memory_space<vmem>>, %arg2: memref<128x128xf32, #tpu.memory_space<vmem>>, %arg3: memref<1x128xf32, #tpu.memory_space<vmem>>, %arg4: memref<2000x128xf32, #tpu.memory_space<vmem>>) attributes {dimension_semantics = [#tpu.dimension_semantics<arbitrary>], iteration_bounds = array<i64: 5>, scalar_prefetch = 0 : i64, scratch_operands = 0 : i64, tpu.core_type = #tpu.core_type<tc>, window_params = [{transform_indices = @transform_0, window_bounds = array<i64: 2000, 128>}, {pipeline_mode = #tpu.pipeline_mode<synchronous>, transform_indices = @transform_1, window_bounds = array<i64: 128, 128>}, {pipeline_mode = #tpu.pipeline_mode<synchronous>, transform_indices = @transform_2, window_bounds = array<i64: 1, 128>}, {transform_indices = @transform_3, window_bounds = array<i64: 2000, 128>}]} {
    %get3A = arith.constant 0 : index
    %get3A_0 = arith.constant 0 : index
    %get3A_1 = vector.load %arg1[%get3A, %get3A_0] : memref<2000x128xf32, #tpu.memory_space<vmem>>, vector<2000x128xf32>
    %get3A_2 = arith.constant 0 : index
    %get3A_3 = arith.constant 0 : index
    %get3A_4 = vector.load %arg2[%get3A_2, %get3A_3] : memref<128x128xf32, #tpu.memory_space<vmem>>, vector<128x128xf32>
    %dot_general3A = arith.constant dense<0.000000e+00> : vector<2000x128xf32>
    %dot_general3A_5 = tpu.matmul %get3A_1, %get3A_4, %dot_general3A {dimension_numbers = #tpu.dot_dimension_numbers<[1], [0], [0], [1], [0, 0, 1, 1], [], []>, transpose_lhs_hint = false} : vector<2000x128xf32>, vector<128x128xf32>, vector<2000x128xf32> -> vector<2000x128xf32>
    %get3A_6 = arith.constant 0 : index
    %get3A_7 = arith.constant 0 : index
    %get3A_8 = vector.load %arg3[%get3A_6, %get3A_7] : memref<1x128xf32, #tpu.memory_space<vmem>>, vector<1x128xf32>
    %add3A = vector.broadcast %get3A_8 : vector<1x128xf32> to vector<2000x128xf32>
    %add3A_9 = arith.addf %dot_general3A_5, %add3A : vector<2000x128xf32>
    %swap3A = arith.constant 0 : index
    %swap3A_10 = arith.constant 0 : index
    %swap3A_11 = vector.load %arg4[%swap3A, %swap3A_10] : memref<2000x128xf32, #tpu.memory_space<vmem>>, vector<2000x128xf32>
    tpu.vector_store %arg4[%swap3A, %swap3A_10], %add3A_9 {strides = array<i32>} : memref<2000x128xf32, #tpu.memory_space<vmem>>, vector<2000x128xf32>,
    return
  }
  func.func @transform_0(%arg0: i32) -> (i32, i32) {
    %c0_i32 = arith.constant 0 : i32
    %c0_i32_0 = arith.constant 0 : i32
    return %arg0, %c0_i32 : i32, i32
  }
  func.func @transform_1(%arg0: i32) -> (i32, i32) {
    %c0_i32 = arith.constant 0 : i32
    %c0_i32_0 = arith.constant 0 : i32
    %c0_i32_1 = arith.constant 0 : i32
    return %c0_i32, %c0_i32_0 : i32, i32
  }
  func.func @transform_2(%arg0: i32) -> (i32, i32) {
    %c0_i32 = arith.constant 0 : i32
    %c0_i32_0 = arith.constant 0 : i32
    %c0_i32_1 = arith.constant 0 : i32
    return %c0_i32, %c0_i32_0 : i32, i32
  }
  func.func @transform_3(%arg0: i32) -> (i32, i32) {
    %c0_i32 = arith.constant 0 : i32
    %c0_i32_0 = arith.constant 0 : i32
    return %arg0, %c0_i32 : i32, i32
  }
}

module attributes {stable_mosaic.version = 14 : i64} {
  func.func @_mid_body(%arg0: i32, %arg1: memref<2000x128xf32, #tpu.memory_space<vmem>>, %arg2: memref<2x2000x128xf32, #tpu.memory_space<vmem>>, %arg3: memref<128x128xf32, #tpu.memory_space<vmem>>, %arg4: memref<128x32xf32, #tpu.memory_space<vmem>>, %arg5: memref<1x32xf32, #tpu.memory_space<vmem>>, %arg6: memref<32x128xf32, #tpu.memory_space<vmem>>, %arg7: memref<32x128xf32, #tpu.memory_space<vmem>>, %arg8: memref<1x128xf32, #tpu.memory_space<vmem>>, %arg9: memref<2000x128xf32, #tpu.memory_space<vmem>>, %arg10: memref<2000x128xf32, #tpu.memory_space<vmem>>) attributes {dimension_semantics = [#tpu.dimension_semantics<arbitrary>], iteration_bounds = array<i64: 5>, scalar_prefetch = 0 : i64, scratch_operands = 0 : i64, tpu.core_type = #tpu.core_type<tc>, window_params = [{transform_indices = @transform_0, window_bounds = array<i64: 2000, 128>}, {transform_indices = @transform_1, window_bounds = array<i64: 2, 2000, 128>}, {pipeline_mode = #tpu.pipeline_mode<synchronous>, transform_indices = @transform_2, window_bounds = array<i64: 128, 128>}, {pipeline_mode = #tpu.pipeline_mode<synchronous>, transform_indices = @transform_3, window_bounds = array<i64: 128, 32>}, {pipeline_mode = #tpu.pipeline_mode<synchronous>, transform_indices = @transform_4, window_bounds = array<i64: 1, 32>}, {pipeline_mode = #tpu.pipeline_mode<synchronous>, transform_indices = @transform_5, window_bounds = array<i64: 32, 128>}, {pipeline_mode = #tpu.pipeline_mode<synchronous>, transform_indices = @transform_6, window_bounds = array<i64: 32, 128>}, {pipeline_mode = #tpu.pipeline_mode<synchronous>, transform_indices = @transform_7, window_bounds = array<i64: 1, 128>}, {transform_indices = @transform_8, window_bounds = array<i64: 2000, 128>}, {transform_indices = @transform_9, window_bounds = array<i64: 2000, 128>}]} {
    %get3A = arith.constant 0 : index
    %get3A_0 = arith.constant 0 : index
    %get3A_1 = vector.load %arg3[%get3A, %get3A_0] : memref<128x128xf32, #tpu.memory_space<vmem>>, vector<128x128xf32>
    %get3A_2 = arith.constant 0 : index
    %get3A_3 = arith.constant 0 : index
    %get3A_4 = arith.constant 0 : index
    %get3A_5 = vector.load %arg2[%get3A_2, %get3A_3, %get3A_4] : memref<2x2000x128xf32, #tpu.memory_space<vmem>>, vector<1x2000x128xf32>
    %get3A_6 = vector.shape_cast %get3A_5 : vector<1x2000x128xf32> to vector<2000x128xf32>
    %get3A_7 = arith.constant 1 : index
    %get3A_8 = arith.constant 0 : index
    %get3A_9 = arith.constant 0 : index
    %get3A_10 = vector.load %arg2[%get3A_7, %get3A_8, %get3A_9] : memref<2x2000x128xf32, #tpu.memory_space<vmem>>, vector<1x2000x128xf32>
    %get3A_11 = vector.shape_cast %get3A_10 : vector<1x2000x128xf32> to vector<2000x128xf32>
    %add3A = arith.addf %get3A_6, %get3A_11 : vector<2000x128xf32>
    %dot_general3A = arith.constant dense<0.000000e+00> : vector<2000x128xf32>
    %dot_general3A_12 = tpu.matmul %add3A, %get3A_1, %dot_general3A {dimension_numbers = #tpu.dot_dimension_numbers<[1], [0], [0], [1], [0, 0, 1, 1], [], []>, transpose_lhs_hint = false} : vector<2000x128xf32>, vector<128x128xf32>, vector<2000x128xf32> -> vector<2000x128xf32>
    %max3A = arith.constant 1.000000e+00 : f32
    %max3A_13 = vector.broadcast %max3A : f32 to vector<2000x128xf32>
    %max3A_14 = arith.maximumf %dot_general3A_12, %max3A_13 : vector<2000x128xf32>
    %div3A = arith.divf %add3A, %max3A_14 : vector<2000x128xf32>
    %slice3A = vector.extract_strided_slice %div3A {offsets = [0, 0], sizes = [2000, 32], strides = [1, 1]} : vector<2000x128xf32> to vector<2000x32xf32>
    %slice3A_15 = vector.extract_strided_slice %div3A {offsets = [0, 32], sizes = [2000, 32], strides = [1, 1]} : vector<2000x128xf32> to vector<2000x32xf32>
    %add3A_16 = arith.addf %slice3A, %slice3A_15 : vector<2000x32xf32>
    %slice3A_17 = vector.extract_strided_slice %div3A {offsets = [0, 64], sizes = [2000, 32], strides = [1, 1]} : vector<2000x128xf32> to vector<2000x32xf32>
    %add3A_18 = arith.addf %add3A_16, %slice3A_17 : vector<2000x32xf32>
    %slice3A_19 = vector.extract_strided_slice %div3A {offsets = [0, 96], sizes = [2000, 32], strides = [1, 1]} : vector<2000x128xf32> to vector<2000x32xf32>
    %add3A_20 = arith.addf %add3A_18, %slice3A_19 : vector<2000x32xf32>
    %get3A_21 = arith.constant 0 : index
    %get3A_22 = arith.constant 0 : index
    %get3A_23 = vector.load %arg1[%get3A_21, %get3A_22] : memref<2000x128xf32, #tpu.memory_space<vmem>>, vector<2000x128xf32>
    %get3A_24 = arith.constant 0 : index
    %get3A_25 = arith.constant 0 : index
    %get3A_26 = vector.load %arg4[%get3A_24, %get3A_25] : memref<128x32xf32, #tpu.memory_space<vmem>>, vector<128x32xf32>
    %dot_general3A_27 = arith.constant dense<0.000000e+00> : vector<2000x32xf32>
    %dot_general3A_28 = tpu.matmul %get3A_23, %get3A_26, %dot_general3A_27 {dimension_numbers = #tpu.dot_dimension_numbers<[1], [0], [0], [1], [0, 0, 1, 1], [], []>, transpose_lhs_hint = false} : vector<2000x128xf32>, vector<128x32xf32>, vector<2000x32xf32> -> vector<2000x32xf32>
    %get3A_29 = arith.constant 0 : index
    %get3A_30 = arith.constant 0 : index
    %get3A_31 = vector.load %arg5[%get3A_29, %get3A_30] : memref<1x32xf32, #tpu.memory_space<vmem>>, vector<1x32xf32>
    %add3A_32 = vector.broadcast %get3A_31 : vector<1x32xf32> to vector<2000x32xf32>
    %add3A_33 = arith.addf %dot_general3A_28, %add3A_32 : vector<2000x32xf32>
    %add3A_34 = arith.addf %add3A_33, %add3A_20 : vector<2000x32xf32>
    %max3A_35 = arith.constant 0.000000e+00 : f32
    %max3A_36 = vector.broadcast %max3A_35 : f32 to vector<2000x32xf32>
    %max3A_37 = arith.maximumf %add3A_34, %max3A_36 : vector<2000x32xf32>
    %get3A_38 = arith.constant 0 : index
    %get3A_39 = arith.constant 0 : index
    %get3A_40 = vector.load %arg6[%get3A_38, %get3A_39] : memref<32x128xf32, #tpu.memory_space<vmem>>, vector<32x128xf32>
    %dot_general3A_41 = arith.constant dense<0.000000e+00> : vector<2000x128xf32>
    %dot_general3A_42 = tpu.matmul %max3A_37, %get3A_40, %dot_general3A_41 {dimension_numbers = #tpu.dot_dimension_numbers<[1], [0], [0], [1], [0, 0, 1, 1], [], []>, transpose_lhs_hint = false} : vector<2000x32xf32>, vector<32x128xf32>, vector<2000x128xf32> -> vector<2000x128xf32>
    %swap3A = arith.constant 0 : index
    %swap3A_43 = arith.constant 0 : index
    %swap3A_44 = vector.load %arg9[%swap3A, %swap3A_43] : memref<2000x128xf32, #tpu.memory_space<vmem>>, vector<2000x128xf32>
    tpu.vector_store %arg9[%swap3A, %swap3A_43], %dot_general3A_42 {strides = array<i32>} : memref<2000x128xf32, #tpu.memory_space<vmem>>, vector<2000x128xf32>,
    %get3A_45 = arith.constant 0 : index
    %get3A_46 = arith.constant 0 : index
    %get3A_47 = vector.load %arg7[%get3A_45, %get3A_46] : memref<32x128xf32, #tpu.memory_space<vmem>>, vector<32x128xf32>
    %dot_general3A_48 = arith.constant dense<0.000000e+00> : vector<2000x128xf32>
    %dot_general3A_49 = tpu.matmul %max3A_37, %get3A_47, %dot_general3A_48 {dimension_numbers = #tpu.dot_dimension_numbers<[1], [0], [0], [1], [0, 0, 1, 1], [], []>, transpose_lhs_hint = false} : vector<2000x32xf32>, vector<32x128xf32>, vector<2000x128xf32> -> vector<2000x128xf32>
    %get3A_50 = arith.constant 0 : index
    %get3A_51 = arith.constant 0 : index
    %get3A_52 = vector.load %arg8[%get3A_50, %get3A_51] : memref<1x128xf32, #tpu.memory_space<vmem>>, vector<1x128xf32>
    %add3A_53 = vector.broadcast %get3A_52 : vector<1x128xf32> to vector<2000x128xf32>
    %add3A_54 = arith.addf %dot_general3A_49, %add3A_53 : vector<2000x128xf32>
    %swap3A_55 = arith.constant 0 : index
    %swap3A_56 = arith.constant 0 : index
    %swap3A_57 = vector.load %arg10[%swap3A_55, %swap3A_56] : memref<2000x128xf32, #tpu.memory_space<vmem>>, vector<2000x128xf32>
    tpu.vector_store %arg10[%swap3A_55, %swap3A_56], %add3A_54 {strides = array<i32>} : memref<2000x128xf32, #tpu.memory_space<vmem>>, vector<2000x128xf32>,
    return
  }
  func.func @transform_0(%arg0: i32) -> (i32, i32) {
    %c0_i32 = arith.constant 0 : i32
    %c0_i32_0 = arith.constant 0 : i32
    return %arg0, %c0_i32 : i32, i32
  }
  func.func @transform_1(%arg0: i32) -> (i32, i32, i32) {
    %c0_i32 = arith.constant 0 : i32
    %c0_i32_0 = arith.constant 0 : i32
    %c0_i32_1 = arith.constant 0 : i32
    return %c0_i32, %arg0, %c0_i32_0 : i32, i32, i32
  }
  func.func @transform_2(%arg0: i32) -> (i32, i32) {
    %c0_i32 = arith.constant 0 : i32
    %c0_i32_0 = arith.constant 0 : i32
    %c0_i32_1 = arith.constant 0 : i32
    return %c0_i32, %c0_i32_0 : i32, i32
  }
  func.func @transform_3(%arg0: i32) -> (i32, i32) {
    %c0_i32 = arith.constant 0 : i32
    %c0_i32_0 = arith.constant 0 : i32
    %c0_i32_1 = arith.constant 0 : i32
    return %c0_i32, %c0_i32_0 : i32, i32
  }
  func.func @transform_4(%arg0: i32) -> (i32, i32) {
    %c0_i32 = arith.constant 0 : i32
    %c0_i32_0 = arith.constant 0 : i32
    %c0_i32_1 = arith.constant 0 : i32
    return %c0_i32, %c0_i32_0 : i32, i32
  }
  func.func @transform_5(%arg0: i32) -> (i32, i32) {
    %c0_i32 = arith.constant 0 : i32
    %c0_i32_0 = arith.constant 0 : i32
    %c0_i32_1 = arith.constant 0 : i32
    return %c0_i32, %c0_i32_0 : i32, i32
  }
  func.func @transform_6(%arg0: i32) -> (i32, i32) {
    %c0_i32 = arith.constant 0 : i32
    %c0_i32_0 = arith.constant 0 : i32
    %c0_i32_1 = arith.constant 0 : i32
    return %c0_i32, %c0_i32_0 : i32, i32
  }
  func.func @transform_7(%arg0: i32) -> (i32, i32) {
    %c0_i32 = arith.constant 0 : i32
    %c0_i32_0 = arith.constant 0 : i32
    %c0_i32_1 = arith.constant 0 : i32
    return %c0_i32, %c0_i32_0 : i32, i32
  }
  func.func @transform_8(%arg0: i32) -> (i32, i32) {
    %c0_i32 = arith.constant 0 : i32
    %c0_i32_0 = arith.constant 0 : i32
    return %arg0, %c0_i32 : i32, i32
  }
  func.func @transform_9(%arg0: i32) -> (i32, i32) {
    %c0_i32 = arith.constant 0 : i32
    %c0_i32_0 = arith.constant 0 : i32
    return %arg0, %c0_i32 : i32, i32
  }
}

module attributes {stable_mosaic.version = 14 : i64} {
  func.func @_final_body(%arg0: i32, %arg1: memref<2000x128xf32, #tpu.memory_space<vmem>>, %arg2: memref<2x2000x128xf32, #tpu.memory_space<vmem>>, %arg3: memref<2x2000x128xf32, #tpu.memory_space<vmem>>, %arg4: memref<128x128xf32, #tpu.memory_space<vmem>>, %arg5: memref<2000x1xi32, #tpu.memory_space<vmem>>, %arg6: memref<32x16xf32, #tpu.memory_space<vmem>>, %arg7: memref<1x16xf32, #tpu.memory_space<vmem>>, %arg8: memref<16x8xf32, #tpu.memory_space<vmem>>, %arg9: memref<1x8xf32, #tpu.memory_space<vmem>>, %arg10: memref<64x8xf32, #tpu.memory_space<vmem>>, %arg11: memref<64x32xf32, #tpu.memory_space<vmem>>) attributes {dimension_semantics = [#tpu.dimension_semantics<arbitrary>], iteration_bounds = array<i64: 5>, scalar_prefetch = 0 : i64, scratch_operands = 1 : i64, tpu.core_type = #tpu.core_type<tc>, window_params = [{transform_indices = @transform_0, window_bounds = array<i64: 2000, 128>}, {transform_indices = @transform_1, window_bounds = array<i64: 2, 2000, 128>}, {transform_indices = @transform_2, window_bounds = array<i64: 2, 2000, 128>}, {pipeline_mode = #tpu.pipeline_mode<synchronous>, transform_indices = @transform_3, window_bounds = array<i64: 128, 128>}, {transform_indices = @transform_4, window_bounds = array<i64: 2000, 1>}, {pipeline_mode = #tpu.pipeline_mode<synchronous>, transform_indices = @transform_5, window_bounds = array<i64: 32, 16>}, {pipeline_mode = #tpu.pipeline_mode<synchronous>, transform_indices = @transform_6, window_bounds = array<i64: 1, 16>}, {pipeline_mode = #tpu.pipeline_mode<synchronous>, transform_indices = @transform_7, window_bounds = array<i64: 16, 8>}, {pipeline_mode = #tpu.pipeline_mode<synchronous>, transform_indices = @transform_8, window_bounds = array<i64: 1, 8>}, {pipeline_mode = #tpu.pipeline_mode<synchronous>, transform_indices = @transform_9, window_bounds = array<i64: 64, 8>}]} {
    %get3A = arith.constant 0 : index
    %get3A_0 = arith.constant 0 : index
    %get3A_1 = vector.load %arg4[%get3A, %get3A_0] : memref<128x128xf32, #tpu.memory_space<vmem>>, vector<128x128xf32>
    %get3A_2 = arith.constant 0 : index
    %get3A_3 = arith.constant 0 : index
    %get3A_4 = arith.constant 0 : index
    %get3A_5 = vector.load %arg2[%get3A_2, %get3A_3, %get3A_4] : memref<2x2000x128xf32, #tpu.memory_space<vmem>>, vector<1x2000x128xf32>
    %get3A_6 = vector.shape_cast %get3A_5 : vector<1x2000x128xf32> to vector<2000x128xf32>
    %get3A_7 = arith.constant 1 : index
    %get3A_8 = arith.constant 0 : index
    %get3A_9 = arith.constant 0 : index
    %get3A_10 = vector.load %arg2[%get3A_7, %get3A_8, %get3A_9] : memref<2x2000x128xf32, #tpu.memory_space<vmem>>, vector<1x2000x128xf32>
    %get3A_11 = vector.shape_cast %get3A_10 : vector<1x2000x128xf32> to vector<2000x128xf32>
    %add3A = arith.addf %get3A_6, %get3A_11 : vector<2000x128xf32>
    %get3A_12 = arith.constant 0 : index
    %get3A_13 = arith.constant 0 : index
    %get3A_14 = arith.constant 0 : index
    %get3A_15 = vector.load %arg3[%get3A_12, %get3A_13, %get3A_14] : memref<2x2000x128xf32, #tpu.memory_space<vmem>>, vector<1x2000x128xf32>
    %get3A_16 = vector.shape_cast %get3A_15 : vector<1x2000x128xf32> to vector<2000x128xf32>
    %get3A_17 = arith.constant 1 : index
    %get3A_18 = arith.constant 0 : index
    %get3A_19 = arith.constant 0 : index
    %get3A_20 = vector.load %arg3[%get3A_17, %get3A_18, %get3A_19] : memref<2x2000x128xf32, #tpu.memory_space<vmem>>, vector<1x2000x128xf32>
    %get3A_21 = vector.shape_cast %get3A_20 : vector<1x2000x128xf32> to vector<2000x128xf32>
    %add3A_22 = arith.addf %get3A_16, %get3A_21 : vector<2000x128xf32>
    %dot_general3A = arith.constant dense<0.000000e+00> : vector<2000x128xf32>
    %dot_general3A_23 = tpu.matmul %add3A_22, %get3A_1, %dot_general3A {dimension_numbers = #tpu.dot_dimension_numbers<[1], [0], [0], [1], [0, 0, 1, 1], [], []>, transpose_lhs_hint = false} : vector<2000x128xf32>, vector<128x128xf32>, vector<2000x128xf32> -> vector<2000x128xf32>
    %max3A = arith.constant 1.000000e+00 : f32
    %max3A_24 = vector.broadcast %max3A : f32 to vector<2000x128xf32>
    %max3A_25 = arith.maximumf %dot_general3A_23, %max3A_24 : vector<2000x128xf32>
    %div3A = arith.divf %add3A, %max3A_25 : vector<2000x128xf32>
    %slice3A = vector.extract_strided_slice %div3A {offsets = [0, 0], sizes = [2000, 32], strides = [1, 1]} : vector<2000x128xf32> to vector<2000x32xf32>
    %slice3A_26 = vector.extract_strided_slice %div3A {offsets = [0, 32], sizes = [2000, 32], strides = [1, 1]} : vector<2000x128xf32> to vector<2000x32xf32>
    %add3A_27 = arith.addf %slice3A, %slice3A_26 : vector<2000x32xf32>
    %slice3A_28 = vector.extract_strided_slice %div3A {offsets = [0, 64], sizes = [2000, 32], strides = [1, 1]} : vector<2000x128xf32> to vector<2000x32xf32>
    %add3A_29 = arith.addf %add3A_27, %slice3A_28 : vector<2000x32xf32>
    %slice3A_30 = vector.extract_strided_slice %div3A {offsets = [0, 96], sizes = [2000, 32], strides = [1, 1]} : vector<2000x128xf32> to vector<2000x32xf32>
    %add3A_31 = arith.addf %add3A_29, %slice3A_30 : vector<2000x32xf32>
    %get3A_32 = arith.constant 0 : index
    %get3A_33 = arith.constant 0 : index
    %get3A_34 = vector.load %arg1[%get3A_32, %get3A_33] : memref<2000x128xf32, #tpu.memory_space<vmem>>, vector<2000x32xf32>
    %add3A_35 = arith.addf %get3A_34, %add3A_31 : vector<2000x32xf32>
    %max3A_36 = arith.constant 0.000000e+00 : f32
    %max3A_37 = vector.broadcast %max3A_36 : f32 to vector<2000x32xf32>
    %max3A_38 = arith.maximumf %add3A_35, %max3A_37 : vector<2000x32xf32>
    %eq3A = arith.constant 0 : i32
    %eq3A_39 = arith.cmpi eq, %arg0, %eq3A : i32
    %convert_element_type3A = arith.extui %eq3A_39 : i1 to i32
    %cond3A = arith.constant 0 : i32
    %cond3A_40 = arith.cmpi ne, %convert_element_type3A, %cond3A : i32
    scf.if %cond3A_40 {
      %broadcast_in_dim3A = arith.constant 0.000000e+00 : f32
      %broadcast_in_dim3A_67 = vector.broadcast %broadcast_in_dim3A : f32 to vector<64x32xf32>
      %swap3A = arith.constant 0 : index
      %swap3A_68 = arith.constant 0 : index
      %swap3A_69 = vector.load %arg11[%swap3A, %swap3A_68] : memref<64x32xf32, #tpu.memory_space<vmem>>, vector<64x32xf32>
      tpu.vector_store %arg11[%swap3A, %swap3A_68], %broadcast_in_dim3A_67 {strides = array<i32>} : memref<64x32xf32, #tpu.memory_space<vmem>>, vector<64x32xf32>,
    } else {
    }
    %get3A_41 = arith.constant 0 : index
    %get3A_42 = arith.constant 0 : index
    %get3A_43 = vector.load %arg5[%get3A_41, %get3A_42] : memref<2000x1xi32, #tpu.memory_space<vmem>>, vector<2000x1xi32>
    %get3A_44 = arith.constant 0 : index
    %get3A_45 = arith.constant 0 : index
    %get3A_46 = vector.load %arg5[%get3A_44, %get3A_45] : memref<2000x1xi32, #tpu.memory_space<vmem>>, vector<1x1xi32>
    %get3A_47 = vector.extract %get3A_46[0, 0] : i32 from vector<1x1xi32>
    %get3A_48 = arith.constant 1999 : index
    %get3A_49 = arith.constant 0 : index
    %get3A_50 = vector.load %arg5[%get3A_48, %get3A_49] : memref<2000x1xi32, #tpu.memory_space<vmem>>, vector<1x1xi32>
    %get3A_51 = vector.extract %get3A_50[0, 0] : i32 from vector<1x1xi32>
    %add3A_52 = arith.constant 1 : i32
    %add3A_53 = arith.addi %get3A_51, %add3A_52 : i32
    %while3A = arith.constant 0 : i32
    %while3A_54 = arith.subi %add3A_53, %get3A_47 : i32
    %while3A_55 = arith.addi %get3A_47, %while3A_54 : i32
    %while3A_56 = arith.constant 1 : i32
    %while3A_57 = arith.divsi %while3A_54, %while3A_56 : i32
    %while3A_58 = arith.muli %while3A_57, %while3A_56 : i32
    %while3A_59 = arith.addi %get3A_47, %while3A_58 : i32
    %while3A_60 = arith.constant 1 : i32
    scf.for %while3A_67 = %get3A_47 to %while3A_59 step %while3A_60  : i32 {
      %eq3A_68 = vector.broadcast %while3A_67 : i32 to vector<2000x1xi32>
      %eq3A_69 = arith.cmpi eq, %get3A_43, %eq3A_68 : vector<2000x1xi32>
      %jit3A = arith.constant 0.000000e+00 : f32
      %broadcast_in_dim3A = vector.shape_cast %eq3A_69 : vector<2000x1xi1> to vector<2000x1xi1>
      %broadcast_in_dim3A_70 = vector.broadcast %broadcast_in_dim3A : vector<2000x1xi1> to vector<2000x32xi1>
      %broadcast_in_dim3A_71 = vector.broadcast %jit3A : f32 to vector<2000x32xf32>
      %select_n3A = arith.select %broadcast_in_dim3A_70, %max3A_38, %broadcast_in_dim3A_71 : vector<2000x32xi1>, vector<2000x32xf32>
      %reduce_max3A = arith.constant dense<0xFF800000> : vector<32xf32>
      %reduce_max3A_72 = vector.multi_reduction <maximumf>, %select_n3A, %reduce_max3A [0] : vector<2000x32xf32> to vector<32xf32>
      %broadcast_in_dim3A_73 = vector.shape_cast %reduce_max3A_72 : vector<32xf32> to vector<1x32xf32>
      %get3A_74 = arith.index_cast %while3A_67 : i32 to index
      %get3A_75 = arith.constant 0 : index
      %get3A_76 = vector.load %arg11[%get3A_74, %get3A_75] : memref<64x32xf32, #tpu.memory_space<vmem>>, vector<1x32xf32>
      %max3A_77 = arith.maximumf %get3A_76, %broadcast_in_dim3A_73 : vector<1x32xf32>
      %swap3A = arith.index_cast %while3A_67 : i32 to index
      %swap3A_78 = arith.constant 0 : index
      %swap3A_79 = vector.load %arg11[%swap3A, %swap3A_78] : memref<64x32xf32, #tpu.memory_space<vmem>>, vector<1x32xf32>
      tpu.vector_store %arg11[%swap3A, %swap3A_78], %max3A_77 {strides = array<i32>} : memref<64x32xf32, #tpu.memory_space<vmem>>, vector<1x32xf32>,
    }
    %while3A_61 = arith.constant 1 : i32
    scf.for %while3A_67 = %while3A_59 to %while3A_55 step %while3A_61  : i32 {
      %eq3A_68 = vector.broadcast %while3A_67 : i32 to vector<2000x1xi32>
      %eq3A_69 = arith.cmpi eq, %get3A_43, %eq3A_68 : vector<2000x1xi32>
      %jit3A = arith.constant 0.000000e+00 : f32
      %broadcast_in_dim3A = vector.shape_cast %eq3A_69 : vector<2000x1xi1> to vector<2000x1xi1>
      %broadcast_in_dim3A_70 = vector.broadcast %broadcast_in_dim3A : vector<2000x1xi1> to vector<2000x32xi1>
      %broadcast_in_dim3A_71 = vector.broadcast %jit3A : f32 to vector<2000x32xf32>
      %select_n3A = arith.select %broadcast_in_dim3A_70, %max3A_38, %broadcast_in_dim3A_71 : vector<2000x32xi1>, vector<2000x32xf32>
      %reduce_max3A = arith.constant dense<0xFF800000> : vector<32xf32>
      %reduce_max3A_72 = vector.multi_reduction <maximumf>, %select_n3A, %reduce_max3A [0] : vector<2000x32xf32> to vector<32xf32>
      %broadcast_in_dim3A_73 = vector.shape_cast %reduce_max3A_72 : vector<32xf32> to vector<1x32xf32>
      %get3A_74 = arith.index_cast %while3A_67 : i32 to index
      %get3A_75 = arith.constant 0 : index
      %get3A_76 = vector.load %arg11[%get3A_74, %get3A_75] : memref<64x32xf32, #tpu.memory_space<vmem>>, vector<1x32xf32>
      %max3A_77 = arith.maximumf %get3A_76, %broadcast_in_dim3A_73 : vector<1x32xf32>
      %swap3A = arith.index_cast %while3A_67 : i32 to index
      %swap3A_78 = arith.constant 0 : index
      %swap3A_79 = vector.load %arg11[%swap3A, %swap3A_78] : memref<64x32xf32, #tpu.memory_space<vmem>>, vector<1x32xf32>
      tpu.vector_store %arg11[%swap3A, %swap3A_78], %max3A_77 {strides = array<i32>} : memref<64x32xf32, #tpu.memory_space<vmem>>, vector<1x32xf32>,
    }
    %eq3A_62 = arith.constant 4 : i32
    %eq3A_63 = arith.cmpi eq, %arg0, %eq3A_62 : i32
    %convert_element_type3A_64 = arith.extui %eq3A_63 : i1 to i32
    %cond3A_65 = arith.constant 0 : i32
    %cond3A_66 = arith.cmpi ne, %convert_element_type3A_64, %cond3A_65 : i32
    scf.if %cond3A_66 {
      %get3A_67 = arith.constant 0 : index
      %get3A_68 = arith.constant 0 : index
      %get3A_69 = vector.load %arg11[%get3A_67, %get3A_68] : memref<64x32xf32, #tpu.memory_space<vmem>>, vector<64x32xf32>
      %get3A_70 = arith.constant 0 : index
      %get3A_71 = arith.constant 0 : index
      %get3A_72 = vector.load %arg6[%get3A_70, %get3A_71] : memref<32x16xf32, #tpu.memory_space<vmem>>, vector<32x16xf32>
      %dot_general3A_73 = arith.constant dense<0.000000e+00> : vector<64x16xf32>
      %dot_general3A_74 = tpu.matmul %get3A_69, %get3A_72, %dot_general3A_73 {dimension_numbers = #tpu.dot_dimension_numbers<[1], [0], [0], [1], [0, 0, 1, 1], [], []>, transpose_lhs_hint = false} : vector<64x32xf32>, vector<32x16xf32>, vector<64x16xf32> -> vector<64x16xf32>
      %get3A_75 = arith.constant 0 : index
      %get3A_76 = arith.constant 0 : index
      %get3A_77 = vector.load %arg7[%get3A_75, %get3A_76] : memref<1x16xf32, #tpu.memory_space<vmem>>, vector<1x16xf32>
      %add3A_78 = vector.broadcast %get3A_77 : vector<1x16xf32> to vector<64x16xf32>
      %add3A_79 = arith.addf %dot_general3A_74, %add3A_78 : vector<64x16xf32>
      %max3A_80 = arith.constant 0.000000e+00 : f32
      %max3A_81 = vector.broadcast %max3A_80 : f32 to vector<64x16xf32>
      %max3A_82 = arith.maximumf %add3A_79, %max3A_81 : vector<64x16xf32>
      %get3A_83 = arith.constant 0 : index
      %get3A_84 = arith.constant 0 : index
      %get3A_85 = vector.load %arg8[%get3A_83, %get3A_84] : memref<16x8xf32, #tpu.memory_space<vmem>>, vector<16x8xf32>
      %dot_general3A_86 = arith.constant dense<0.000000e+00> : vector<64x8xf32>
      %dot_general3A_87 = tpu.matmul %max3A_82, %get3A_85, %dot_general3A_86 {dimension_numbers = #tpu.dot_dimension_numbers<[1], [0], [0], [1], [0, 0, 1, 1], [], []>, transpose_lhs_hint = false} : vector<64x16xf32>, vector<16x8xf32>, vector<64x8xf32> -> vector<64x8xf32>
      %get3A_88 = arith.constant 0 : index
      %get3A_89 = arith.constant 0 : index
      %get3A_90 = vector.load %arg9[%get3A_88, %get3A_89] : memref<1x8xf32, #tpu.memory_space<vmem>>, vector<1x8xf32>
      %add3A_91 = vector.broadcast %get3A_90 : vector<1x8xf32> to vector<64x8xf32>
      %add3A_92 = arith.addf %dot_general3A_87, %add3A_91 : vector<64x8xf32>
      %swap3A = arith.constant 0 : index
      %swap3A_93 = arith.constant 0 : index
      %swap3A_94 = vector.load %arg10[%swap3A, %swap3A_93] : memref<64x8xf32, #tpu.memory_space<vmem>>, vector<64x8xf32>
      tpu.vector_store %arg10[%swap3A, %swap3A_93], %add3A_92 {strides = array<i32>} : memref<64x8xf32, #tpu.memory_space<vmem>>, vector<64x8xf32>,
    } else {
    }
    return
  }
  func.func @transform_0(%arg0: i32) -> (i32, i32) {
    %c0_i32 = arith.constant 0 : i32
    %c0_i32_0 = arith.constant 0 : i32
    return %arg0, %c0_i32 : i32, i32
  }
  func.func @transform_1(%arg0: i32) -> (i32, i32, i32) {
    %c0_i32 = arith.constant 0 : i32
    %c0_i32_0 = arith.constant 0 : i32
    %c0_i32_1 = arith.constant 0 : i32
    return %c0_i32, %arg0, %c0_i32_0 : i32, i32, i32
  }
  func.func @transform_2(%arg0: i32) -> (i32, i32, i32) {
    %c0_i32 = arith.constant 0 : i32
    %c0_i32_0 = arith.constant 0 : i32
    %c0_i32_1 = arith.constant 0 : i32
    return %c0_i32, %arg0, %c0_i32_0 : i32, i32, i32
  }
  func.func @transform_3(%arg0: i32) -> (i32, i32) {
    %c0_i32 = arith.constant 0 : i32
    %c0_i32_0 = arith.constant 0 : i32
    %c0_i32_1 = arith.constant 0 : i32
    return %c0_i32, %c0_i32_0 : i32, i32
  }
  func.func @transform_4(%arg0: i32) -> (i32, i32) {
    %c0_i32 = arith.constant 0 : i32
    %c0_i32_0 = arith.constant 0 : i32
    return %arg0, %c0_i32 : i32, i32
  }
  func.func @transform_5(%arg0: i32) -> (i32, i32) {
    %c0_i32 = arith.constant 0 : i32
    %c0_i32_0 = arith.constant 0 : i32
    %c0_i32_1 = arith.constant 0 : i32
    return %c0_i32, %c0_i32_0 : i32, i32
  }
  func.func @transform_6(%arg0: i32) -> (i32, i32) {
    %c0_i32 = arith.constant 0 : i32
    %c0_i32_0 = arith.constant 0 : i32
    %c0_i32_1 = arith.constant 0 : i32
    return %c0_i32, %c0_i32_0 : i32, i32
  }
  func.func @transform_7(%arg0: i32) -> (i32, i32) {
    %c0_i32 = arith.constant 0 : i32
    %c0_i32_0 = arith.constant 0 : i32
    %c0_i32_1 = arith.constant 0 : i32
    return %c0_i32, %c0_i32_0 : i32, i32
  }
  func.func @transform_8(%arg0: i32) -> (i32, i32) {
    %c0_i32 = arith.constant 0 : i32
    %c0_i32_0 = arith.constant 0 : i32
    %c0_i32_1 = arith.constant 0 : i32
    return %c0_i32, %c0_i32_0 : i32, i32
  }
  func.func @transform_9(%arg0: i32) -> (i32, i32) {
    %c0_i32 = arith.constant 0 : i32
    %c0_i32_0 = arith.constant 0 : i32
    %c0_i32_1 = arith.constant 0 : i32
    return %c0_i32, %c0_i32_0 : i32, i32
  }
}

</mosaic_0001>

<sc_bundles>
// kernel: kernel.11.cloned.1.call-start
scs
__scs_entry_jumppad:
0x0: {  	(pc) =	sbr.rel $0x88, $3  }
0x1: {  	(tag) =	ssettag $0x0;
	lr =	simm.s32 $0x1  }
0x2: {  	[smem:$0x3F93] =	sst lr;
	_ =	strace $0xD0000000  }
0x3: {  	_ = 	snop  }
0x4: {  	_ = 	snop  }
0x5: {  	_ = 	snop  }
0x6: {  	_ = 	snop  }
0x7: {  	_ = 	snop  }
__scs_overlays_trampoline_lowered:
0x8: {  	[smem:$0x3FA2] =	sst s0  }
0x9: {  	[smem:$0x3FA3] =	sst s1  }
0xa: {  	[smem:$0x3FA4] =	sst s2  }
0xb: {  	[smem:$0x3FA5] =	sst s3  }
0xc: {  	[smem:$0x3FA6] =	sst s4  }
0xd: {  	[smem:$0x3FA7] =	sst s5  }
0xe: {  	[smem:$0x3FA8] =	sst s6  }
0xf: {  	[smem:$0x3FA9] =	sst s7  }
0x10: {  	[smem:$0x3FAA] =	sst s8  }
0x11: {  	[smem:$0x3FAB] =	sst s9;
	s0 =	simm.s32 @!p0 $0x0  }
0x12: {  	s1 =	sld [smem:$0x3F91];
	s0 =	simm.s32 @p0 $0x1  }
0x13: {  	[smem:$0x3FAC] =	sst s0;
	s0 =	simm.s32 @!p1 $0x0  }
0x14: {  	s2 =	sld [smem:$0x3F90];
	s0 =	simm.s32 @p1 $0x1  }
0x15: {  	[smem:$0x3FAD] =	sst s0;
	s0 =	simm.s32 @!p2 $0x0  }
0x16: {  	s3 =	sld [smem:$0x3FDB];
	s0 =	simm.s32 @p2 $0x1  }
0x17: {  	s4 =	simm.s32 $0x1BF5;
	[smem:$0x3FAF] =	sst s0  }
0x18: {  	s0 =	sld [smem:$0x3F92];
	_ =	swait.ge [sflag:s4], $0x0  }
0x19: {  	s7 =	sld [smem:$0x3F93]  }
0x1a: {  	s8 =	sadd.s32 $0xFFFFE003, lr  }
0x1b: {  	s9 =	sadd.s32 $0xFFFFFEF7, lr;
	s5 =	simm.s32 $0xFFFFFFFF;
	p2 =	slt.u32 s8, $0xFFFFF086  }
0x1c: {  	p1 =	slt.u32 s9, $0xF7A;
	s5 =	simm.s32 @!p2 $0x0  }
0x1d: {  	s5 =	simm.s32 @p1 $0x1;
	p0 =	seq.s32 s7, s2  }
0x1e: {  	s7 =	smul.u32 @!p0 $0xF7A, s2;
	p2 =	seq.s32 @!p0 s5, $0x0  }
0x1f: {  	s9 =	smul.u32 $0xF7A, s1;
	s8 =	simm.s32 @!p0 $0x1BF5;
	p2 =	por !p2, p0  }
0x20: {  	[sflag:s8] =	ssyncset.s32 @!p0 $0xFFFFF086;
	s6 =	sadd.s32 @!p0 s3, s7;
	s7 =	simm.s32 @!p0 $0x108  }
0x21: {  	s3 =	sadd.s32 s3, s9;
	s6 =	sadd.s32 @!p0 $0x88, s6;
	s7 =	simm.s32 @p2 $0x1082  }
0x22: {  	[simem:s7], [sflag:s8] =	dma.local @!p0 [hbm:s6], $0xF7A  }
0x23: {  	s9 =	sor.u32 $0xD0000000, s2;
	s6 =	simm.s32 $0x108;
	_ =	swait.ge @!p0 [sflag:s8], $0x0  }
0x24: {  	s3 =	sadd.s32 $0x88, s3;
	s6 =	simm.s32 @!p1 $0x1082;
	[sflag:s4] =	ssyncset.s32 $0xFFFFF086  }
0x25: {  	[simem:s6], [sflag:s4] =	dma.local [hbm:s3], $0xF7A  }
0x26: {  	[smem:$0x3F93] =	sst s1;
	(tag) =	ssettag s2;
	_ =	strace s9  }
0x27: {  	s1 =	sld [smem:$0x3FA3]  }
0x28: {  	s2 =	sld [smem:$0x3FA4]  }
0x29: {  	s4 =	sld [smem:$0x3FA6]  }
0x2a: {  	p0 =	seq.s32 s5, $0x0;
	s5 =	sld [smem:$0x3FA7]  }
0x2b: {  	s6 =	sld [smem:$0x3FA8]  }
0x2c: {  	s7 =	sld [smem:$0x3FA9]  }
0x2d: {  	s3 =	simm.s32 $0x108;
	s8 =	sld [smem:$0x3FAA]  }
0x2e: {  	s3 =	simm.s32 @!p0 $0x1082;
	s9 =	sld [smem:$0x3FAB]  }
0x2f: {  	lr =	sadd.s32 s0, s3;
	s0 =	sld [smem:$0x3FA2]  }
0x30: {  	s3 =	sld [smem:$0x3FA5]  }
0x31: {  	[smem:$0x3FAE] =	sst s10  }
0x32: {  	s10 =	sld [smem:$0x3FAC];
	_ =	sdelay $0x3  }
0x33: {  	p0 =	seq.s32 s10, $0x1;
	s10 =	sld [smem:$0x3FAE];
	_ =	sdelay $0x3  }
0x34: {  	[smem:$0x3FAE] =	sst s10  }
0x35: {  	s10 =	sld [smem:$0x3FAD];
	_ =	sdelay $0x3  }
0x36: {  	p1 =	seq.s32 s10, $0x1;
	s10 =	sld [smem:$0x3FAE];
	_ =	sdelay $0x3  }
0x37: {  	[smem:$0x3FAE] =	sst s10  }
0x38: {  	s10 =	sld [smem:$0x3FAF]  }
0x39: {  	_ = 	snop;
	(pc) =	sbr.ind lr, $3  }
0x3a: {  	_ = 	snop  }
0x3b: {  	_ = 	snop  }
0x3c: {  	p2 =	seq.s32 s10, $0x1;
	s10 =	sld [smem:$0x3FAE]  }
0x3d: {  	_ =	shalt  }
0x3e: {  	_ =	shalt  }
0x3f: {  	_ =	shalt  }
0x40: {  	_ =	shalt  }
0x41: {  	_ =	shalt  }
0x42: {  	_ =	shalt  }
0x43: {  	_ =	shalt  }
0x44: {  	_ =	shalt  }
0x45: {  	_ =	shalt  }
0x46: {  	_ =	shalt  }
0x47: {  	_ =	shalt  }
0x48: {  	_ =	shalt  }
0x49: {  	_ =	shalt  }
0x4a: {  	_ =	shalt  }
0x4b: {  	_ =	shalt  }
0x4c: {  	_ =	shalt  }
0x4d: {  	_ =	shalt  }
0x4e: {  	_ =	shalt  }
0x4f: {  	_ =	shalt  }
0x50: {  	_ =	shalt  }
0x51: {  	_ =	shalt  }
0x52: {  	_ =	shalt  }
0x53: {  	_ =	shalt  }
0x54: {  	_ =	shalt  }
0x55: {  	_ =	shalt  }
0x56: {  	_ =	shalt  }
0x57: {  	_ =	shalt  }
0x58: {  	_ =	shalt  }
0x59: {  	_ =	shalt  }
0x5a: {  	_ =	shalt  }
0x5b: {  	_ =	shalt  }
0x5c: {  	_ =	shalt  }
0x5d: {  	_ =	shalt  }
0x5e: {  	_ =	shalt  }
0x5f: {  	_ =	shalt  }
0x60: {  	_ =	shalt  }
0x61: {  	_ =	shalt  }
0x62: {  	_ =	shalt  }
0x63: {  	_ =	shalt  }
0x64: {  	_ =	shalt  }
0x65: {  	_ =	shalt  }
0x66: {  	_ =	shalt  }
0x67: {  	_ =	shalt  }
0x68: {  	_ =	shalt  }
0x69: {  	_ =	shalt  }
0x6a: {  	_ =	shalt  }
0x6b: {  	_ =	shalt  }
0x6c: {  	_ =	shalt  }
0x6d: {  	_ =	shalt  }
0x6e: {  	_ =	shalt  }
0x6f: {  	_ =	shalt  }
0x70: {  	_ =	shalt  }
0x71: {  	_ =	shalt  }
0x72: {  	_ =	shalt  }
0x73: {  	_ =	shalt  }
0x74: {  	_ =	shalt  }
0x75: {  	_ =	shalt  }
0x76: {  	_ =	shalt  }
0x77: {  	_ =	shalt  }
0x78: {  	_ =	shalt  }
0x79: {  	_ =	shalt  }
0x7a: {  	_ =	shalt  }
0x7b: {  	_ =	shalt  }
0x7c: {  	_ =	shalt  }
0x7d: {  	_ =	shalt  }
0x7e: {  	_ =	shalt  }
0x7f: {  	_ =	shalt  }
0x80: {  	_ =	shalt  }
0x81: {  	_ =	shalt  }
0x82: {  	_ =	shalt  }
0x83: {  	_ =	shalt  }
0x84: {  	_ =	shalt  }
0x85: {  	_ =	shalt  }
0x86: {  	_ =	shalt  }
0x87: {  	_ =	shalt  }
.Lfunc_end0:
.L_simem_size_0:
called_computation.1_lowered:
.L_overlay_start_0:
0x88: {  	s2 =	sld [smem:$0x3FD9]  }
0x89: {  	s3 =	sld [smem:$0x3FFE];
	_ =	sdelay $0x1  }
0x8a: {  	s1 =	srdreg.scid  }
0x8b: {  	s0 =	sand.u32 $0x1, s1  }
0x8c: {  	s16 =	sshll.u32 s0, $0xA;
	s2 =	sadd.s32 s3, s2  }
0x8d: {  	s2 =	sadd.s32 s2, s16  }
0x8e: {  	[smem:$0x3FBA] =	sst s2  }
0x8f: {  	_ = 	snop  }
0x90: {  	(tm) =	ssettm $0x1  }
0x91: {  	s17 =	sld [smem:$0x3FFB];
	_ =	sdelay $0x3  }
0x92: {  	_ =	strace s17  }
0x93: {  	s2 =	sld [smem:$0x3FFC];
	_ =	sdelay $0x3  }
0x94: {  	_ =	strace s2  }
0x95: {  	s2 =	sld [smem:$0x3FFD];
	_ =	sdelay $0x3  }
0x96: {  	_ =	strace s2  }
0x97: {  	_ =	strace $0x8FFFFFFF  }
0x98: {  	s18 =	sld [smem:$0x3FDB];
	_ =	sdelay $0x1  }
0x99: {  	s19 =	simm.s32 $_scs_section_size  }
0x9a: {  	s4 =	simm.s32 $_size__tile_overlayer_lowered;
	s5 =	simm.s32 $_tile_overlayer_lowered  }
0x9b: {  	s22 =	simm.s32 $0x1BFF;
	s21 =	sshll.u32 s5, $0x1;
	s2 =	sadd.s32 s19, s18  }
0x9c: {  	s6 =	simm.s32 $0x0;
	s20 =	sshll.u32 s4, $0x1;
	s4 =	sadd.s32 s21, s2  }
0x9d: {  	[timem:s6], [sflag:s22] =	dma.local [hbm:s4], s20  }
0x9e: {  	_ =	swait.ge [sflag:s22], s20  }
0x9f: {  	s3 =	ssub.s32 $0x0, s20;
	[sflag:s22] =	ssyncset.done $0x0  }
0xa0: {  	[sflag:s22] =	ssyncadd.s32 s3;
	_ =	sdelay $0x1  }
0xa1: {  	s23 =	simm.s32 $0x1B8B  }
0xa2: {  	_ =	swait.ge [sflag:s23], $0x1  }
0xa3: {  	[sflag:s23] =	ssyncset.done $0x0  }
0xa4: {  	s25 =	simm.s32 $0x1B8E;
	s24 =	sld [smem:$0x3FFE];
	[sflag:s23] =	ssyncadd.s32 $0xFFFFFFFF  }
0xa5: {  	s26 =	simm.s32 $execute0_lowered;
	[smem:$0x3FD2] =	sst s25  }
0xa6: {  	s4 =	sshll.u32 s26, $0x1;
	_ =	strace $0x80000049;
	[dreg:$0x1] =	wrdreg $0xFFFFFFFF  }
0xa7: {  	s28 =	simm.s32 $_size_execute0_lowered;
	s2 =	sadd.s32 s2, s4;
	[dreg:$0x0] =	wrdreg $0x0  }
0xa8: {  	s4 =	sshll.u32 s28, $0x1;
	[dreg:$0x2] =	wrdreg s2  }
0xa9: {  	[dreg:$0x3] =	wrdreg s4  }
0xaa: {  	[dreg:$0x4] =	wrdreg $0xC0  }
0xab: {  	_ =	task [dreg:s6], $0x5FFFF  }
0xac: {  	[dreg:$0x1] =	wrdreg $0xFFFFFFFF  }
0xad: {  	[dreg:$0x0] =	wrdreg $0x60  }
0xae: {  	[dreg:$0x2] =	wrdreg s24  }
0xaf: {  	[dreg:$0x3] =	wrdreg $0x0  }
0xb0: {  	[dreg:$0x4] =	wrdreg $0x9  }
0xb1: {  	_ =	task.clear_ibuf [dreg:s6], $0x5FFFF;
	_ =	strace $0x90000049  }
0xb2: {  	s29 =	simm.s32 $0x9;
	_ =	strace $0x8000004B  }
0xb3: {  	_ =	swait.ge [sflag:s29], $0x1  }
0xb4: {  	[sflag:s29] =	ssyncadd.s32 $0xFFFFFFFF  }
0xb5: {  	_ =	strace $0x9000004B  }
0xb6: {  	_ =	sfence  }
0xb7: {  	s30 =	sld [smem:$0x0];
	_ =	sdelay $0x2  }
0xb8: {  	s31 =	sshll.u32 s1, $0xD;
	s1 =	sshrl.u32 s1, $0x2  }
0xb9: {  	s3 =	sand.u32 $0x4000, s31;
	s1 =	sadd.s32 s1, s30  }
0xba: {  	s0 =	sor.u32 s3, s0;
	s1 =	sshll.u32 s1, $0x11  }
0xbb: {  	s0 =	sor.u32 s1, s0  }
0xbc: {  	s0 =	sadd.s32 $0x8F2B, s0  }
0xbd: {  	[sflag:s0] =	ssyncadd.remote.s32 $0x1  }
0xbe: {  	_ =	sfence.sel $0xFFFF  }
0xbf: {  	[dreg:$0x0] =	wrdreg $0xFFFFFFFF;
	(pc) =	sbr.abs _section_cstart, $3  }
0xc0: {  	[dreg:$0x1] =	wrdreg $0xFFFFFFFF  }
0xc1: {  	_ =	task.clear_ibuf [dreg:s6], $0x2FFFF;
	_ =	strace $0x9FFFFFFF  }
0xc2: {  	(tm) =	ssettm $0x7FFFFFFF  }
0xc3: {  	_ =	shalt  }
tec
execute0_lowered:
.L_overlay_start_1:
0x0: {  	(tag) =	ssettag $0x1  }
0x1: {  	s0 =	srdreg.scid  }
0x2: {  	s3 =	stileid.u32;
	s5 =	rddreg [dreg:$0x0]  }
0x3: {  	s2 =	rddreg [dreg:$0x1];
	s4 =	simm.s32 $0x0;
	s10 =	simm.s32 $0x13900  }
0x4: {  	s11 =	simm.s32 $0xB;
	s15 =	simm.s32 $0x80;
	s16 =	simm.s32 $0x18900  }
0x5: {  	s18 =	simm.s32 $0x19900;
	s20 =	simm.s32 $0x1A900;
	s22 =	simm.s32 $0x1B900  }
0x6: {  	s28 =	simm.s32 $0x3;
	s29 =	simm.s32 $0x4;
	s30 =	simm.s32 $0x5  }
0x7: {  	s31 =	simm.s32 $0x6;
	s12 =	simm.s32 $0x9;
	s17 =	simm.s32 $0xA  }
0x8: {  	s23 =	simm.s32 $0x0;
	s0 =	sand.u32 $0x1, s0;
	s7 =	smul.u32 $0x13900, s3  }
0x9: {  	[smem:$0x7FF] =	sst s4;
	s4 =	sadd.s32 $0x17200, s5;
	s26 =	sshll.u32 s3, $0x6  }
0xa: {  	s1 =	sshll.u32 s0, $0x4;
	s6 =	smul.u32 $0x139000, s0;
	_ =	strace $0x8000004A  }
0xb: {  	s0 =	ssub.s32 $0x2, s0;
	s13 =	sor.u32 $0x1C0B, s26;
	s26 =	simm.s32 $0x2  }
0xc: {  	s1 =	sor.u32 s3, s1;
	s8 =	sshrl.u32 s7, $0x3;
	s24 =	sshrl.u32 s0, $0x1  }
0xd: {  	s25 =	sadd.s32 s7, s2;
	s1 =	smul.u32 $0x500, s1;
	s6 =	sadd.s32 s7, s6  }
0xe: {  	s8 =	sadd.s32 s8, s5;
	s0 =	ssub.s32 s0, s24;
	s14 =	sshrl.u32 s25, $0x3  }
0xf: {  	s24 =	simm.s32 $0x1C900;
	s25 =	simm.s32 $0x1;
	s6 =	sshrl.u32 s6, $0x3  }
0x10: {  	s7 =	sadd.s32 $0x3E400, s8;
	s1 =	sadd.s32 s1, s5;
	s9 =	sadd.s32 s6, s5  }
0x11: {  	s5 =	sadd.s32 $0x3200, s1;
	s6 =	sadd.s32 $0xD200, s1;
	s8 =	sadd.s32 $0xB3A00, s9  }
0x12: {  	s9 =	smax.u32 s0, $0x1;
	s1 =	simm.s32 $0x7;
	s0 =	simm.s32 $0x8  }
.LBB2_1:
0x13: {  	s3 =	simm.s32 $0x0  }
0x14: {  	[tilespmem:s10], [sflag:$0xB] =	stream.linear.gather [hbm4b:s5+s3], $0x2800, $0x38;
	[tilespmem:$0x1D900] =	vst v63  }
0x15: {  	_ =	swait.ge [sflag:s11], $0x2800  }
0x16: {  	[sflag:s11] =	ssyncset.done $0x0  }
0x17: {  	s19 =	simm.s32 $0x16100;
	[sflag:s11] =	ssyncadd.s32 $0xFFFFD800  }
0x18: {  	[tilespmem:s19], [sflag:$0xB] =	stream.linear.gather [hbm4b:s6+s3], $0x2800, $0x38;
	[tilespmem:$0x1D900] =	vst v63  }
0x19: {  	_ =	swait.ge [sflag:s11], $0x2800  }
0x1a: {  	[sflag:s11] =	ssyncset.done $0x0  }
0x1b: {  	[sflag:s11] =	ssyncadd.s32 $0xFFFFD800  }
0x1c: {  	[spmem:s14], [sflag:s13] =	dma.local [hbm:s7], $0x2720  }
0x1d: {  	_ =	swait.ge [sflag:s11], $0x2720  }
0x1e: {  	[sflag:s11] =	ssyncset.done $0x0  }
0x1f: {  	[sflag:s11] =	ssyncadd.s32 $0xFFFFD8E0  }
0x20: {  	[bflag:$0x0] =	sbarrier.arrive $0xFFFF  }
0x21: {  	[tilespmem:s16], [sflag:$0x1] =	stream.indirect.gather [hbm4b:s4+s15], $0x20, s10, s15, $0xb8;
	[tilespmem:$0x1D900] =	vst v63  }
0x22: {  	s21 =	simm.s32 $0x13980  }
0x23: {  	[tilespmem:s18], [sflag:$0x2] =	stream.indirect.gather [hbm4b:s4+s15], $0x20, s21, s15, $0xb8;
	[tilespmem:$0x1D900] =	vst v63  }
0x24: {  	s19 =	simm.s32 $0x13A00  }
0x25: {  	[tilespmem:s20], [sflag:$0x3] =	stream.indirect.gather [hbm4b:s4+s15], $0x20, s19, s15, $0xb8;
	[tilespmem:$0x1D900] =	vst v63  }
0x26: {  	s21 =	simm.s32 $0x13A80  }
0x27: {  	[tilespmem:s22], [sflag:$0x4] =	stream.indirect.gather [hbm4b:s4+s15], $0x20, s21, s15, $0xb8;
	[tilespmem:$0x1D900] =	vst v63  }
0x28: {  	s19 =	simm.s32 $0x13B00  }
0x29: {  	[tilespmem:s24], [sflag:$0x5] =	stream.indirect.gather [hbm4b:s4+s15], $0x20, s19, s15, $0xb8;
	[tilespmem:$0x1D900] =	vst v63  }
0x2a: {  	_ =	swait.ge [sflag:s25], $0x1000  }
0x2b: {  	[sflag:s25] =	ssyncset.done $0x0  }
0x2c: {  	s21 =	simm.s32 $0x16100;
	[sflag:s25] =	ssyncadd.s32 $0xFFFFF000  }
0x2d: {  	[spmem:s2] =	stream.indirect.scatter.add.f32 [tilespmem:s16], [sflag:$0x6], $0x20, s21, s15, $0xb8;
	[tilespmem:$0x1D900] =	vst v63  }
0x2e: {  	_ =	swait.ge [sflag:s26], $0x1000  }
0x2f: {  	[sflag:s26] =	ssyncset.done $0x0  }
0x30: {  	s3 =	simm.s32 $0x16180;
	[sflag:s26] =	ssyncadd.s32 $0xFFFFF000  }
0x31: {  	[spmem:s2] =	stream.indirect.scatter.add.f32 [tilespmem:s18], [sflag:$0x7], $0x20, s3, s15, $0xb8;
	[tilespmem:$0x1D900] =	vst v63  }
0x32: {  	_ =	swait.ge [sflag:s28], $0x1000  }
0x33: {  	[sflag:s28] =	ssyncset.done $0x0  }
0x34: {  	s21 =	simm.s32 $0x16200;
	[sflag:s28] =	ssyncadd.s32 $0xFFFFF000  }
0x35: {  	[spmem:s2] =	stream.indirect.scatter.add.f32 [tilespmem:s20], [sflag:$0x8], $0x20, s21, s15, $0xb8;
	[tilespmem:$0x1D900] =	vst v63  }
0x36: {  	_ =	swait.ge [sflag:s29], $0x1000  }
0x37: {  	[sflag:s29] =	ssyncset.done $0x0  }
0x38: {  	s3 =	simm.s32 $0x16280;
	[sflag:s29] =	ssyncadd.s32 $0xFFFFF000  }
0x39: {  	[spmem:s2] =	stream.indirect.scatter.add.f32 [tilespmem:s22], [sflag:$0x9], $0x20, s3, s15, $0xb8;
	[tilespmem:$0x1D900] =	vst v63  }
0x3a: {  	_ =	swait.ge [sflag:s30], $0x1000  }
0x3b: {  	[sflag:s30] =	ssyncset.done $0x0  }
0x3c: {  	s21 =	simm.s32 $0x16300;
	[sflag:s30] =	ssyncadd.s32 $0xFFFFF000  }
0x3d: {  	[spmem:s2] =	stream.indirect.scatter.add.f32 [tilespmem:s24], [sflag:$0xA], $0x20, s21, s15, $0xb8;
	[tilespmem:$0x1D900] =	vst v63  }
0x3e: {  	_ =	swait.ge [sflag:s31], $0x1000  }
0x3f: {  	[sflag:s31] =	ssyncset.done $0x0  }
0x40: {  	s3 =	simm.s32 $0x13B80;
	[sflag:s31] =	ssyncadd.s32 $0xFFFFF000  }
0x41: {  	[tilespmem:s16], [sflag:$0x1] =	stream.indirect.gather [hbm4b:s4+s15], $0x20, s3, s15, $0xb8;
	[tilespmem:$0x1D900] =	vst v63  }
0x42: {  	_ =	swait.ge [sflag:s1], $0x1000  }
0x43: {  	[sflag:s1] =	ssyncset.done $0x0  }
0x44: {  	s21 =	simm.s32 $0x13C00;
	[sflag:s1] =	ssyncadd.s32 $0xFFFFF000  }
0x45: {  	[tilespmem:s18], [sflag:$0x2] =	stream.indirect.gather [hbm4b:s4+s15], $0x20, s21, s15, $0xb8;
	[tilespmem:$0x1D900] =	vst v63  }
0x46: {  	_ =	swait.ge [sflag:s0], $0x1000  }
0x47: {  	[sflag:s0] =	ssyncset.done $0x0  }
0x48: {  	s3 =	simm.s32 $0x13C80;
	[sflag:s0] =	ssyncadd.s32 $0xFFFFF000  }
0x49: {  	[tilespmem:s20], [sflag:$0x3] =	stream.indirect.gather [hbm4b:s4+s15], $0x20, s3, s15, $0xb8;
	[tilespmem:$0x1D900] =	vst v63  }
0x4a: {  	_ =	swait.ge [sflag:s12], $0x1000  }
0x4b: {  	[sflag:s12] =	ssyncset.done $0x0  }
0x4c: {  	s21 =	simm.s32 $0x13D00;
	[sflag:s12] =	ssyncadd.s32 $0xFFFFF000  }
0x4d: {  	[tilespmem:s22], [sflag:$0x4] =	stream.indirect.gather [hbm4b:s4+s15], $0x20, s21, s15, $0xb8;
	[tilespmem:$0x1D900] =	vst v63  }
0x4e: {  	_ =	swait.ge [sflag:s17], $0x1000  }
0x4f: {  	[sflag:s17] =	ssyncset.done $0x0  }
0x50: {  	s19 =	simm.s32 $0xA00;
	s21 =	simm.s32 $0x13D80;
	[sflag:s17] =	ssyncadd.s32 $0xFFFFF000  }
.LBB2_2:
0x51: {  	[tilespmem:s24], [sflag:$0x5] =	stream.indirect.gather [hbm4b:s4+s15], $0x20, s21, s15, $0xb8;
	[tilespmem:$0x1D900] =	vst v63  }
0x52: {  	s21 =	smov.u32 s19  }
0x53: {  	p0 =	sne.s32 s19, $0x8C00;
	s19 =	sadd.s32 $0xA00, s19;
	_ =	swait.ge [sflag:s25], $0x1000  }
0x54: {  	s21 =	sshra.s32 s21, $0x2;
	[sflag:s25] =	ssyncset.done $0x0  }
0x55: {  	s3 =	sadd.s32 $0x16100, s21;
	[sflag:s25] =	ssyncadd.s32 $0xFFFFF000  }
0x56: {  	[spmem:s2] =	stream.indirect.scatter.add.f32 [tilespmem:s16], [sflag:$0x6], $0x20, s3, s15, $0xb8;
	[tilespmem:$0x1D900] =	vst v63  }
0x57: {  	_ =	swait.ge [sflag:s26], $0x1000  }
0x58: {  	[sflag:s26] =	ssyncset.done $0x0  }
0x59: {  	s3 =	sadd.s32 $0x16180, s21;
	[sflag:s26] =	ssyncadd.s32 $0xFFFFF000  }
0x5a: {  	[spmem:s2] =	stream.indirect.scatter.add.f32 [tilespmem:s18], [sflag:$0x7], $0x20, s3, s15, $0xb8;
	[tilespmem:$0x1D900] =	vst v63  }
0x5b: {  	_ =	swait.ge [sflag:s28], $0x1000  }
0x5c: {  	[sflag:s28] =	ssyncset.done $0x0  }
0x5d: {  	s3 =	sadd.s32 $0x16200, s21;
	[sflag:s28] =	ssyncadd.s32 $0xFFFFF000  }
0x5e: {  	[spmem:s2] =	stream.indirect.scatter.add.f32 [tilespmem:s20], [sflag:$0x8], $0x20, s3, s15, $0xb8;
	[tilespmem:$0x1D900] =	vst v63  }
0x5f: {  	_ =	swait.ge [sflag:s29], $0x1000  }
0x60: {  	[sflag:s29] =	ssyncset.done $0x0  }
0x61: {  	s3 =	sadd.s32 $0x16280, s21;
	[sflag:s29] =	ssyncadd.s32 $0xFFFFF000  }
0x62: {  	[spmem:s2] =	stream.indirect.scatter.add.f32 [tilespmem:s22], [sflag:$0x9], $0x20, s3, s15, $0xb8;
	[tilespmem:$0x1D900] =	vst v63  }
0x63: {  	_ =	swait.ge [sflag:s30], $0x1000  }
0x64: {  	[sflag:s30] =	ssyncset.done $0x0  }
0x65: {  	s3 =	sadd.s32 $0x16300, s21;
	[sflag:s30] =	ssyncadd.s32 $0xFFFFF000  }
0x66: {  	[spmem:s2] =	stream.indirect.scatter.add.f32 [tilespmem:s24], [sflag:$0xA], $0x20, s3, s15, $0xb8;
	[tilespmem:$0x1D900] =	vst v63  }
0x67: {  	_ =	swait.ge [sflag:s31], $0x1000  }
0x68: {  	[sflag:s31] =	ssyncset.done $0x0  }
0x69: {  	s3 =	sadd.s32 $0x13B80, s21;
	[sflag:s31] =	ssyncadd.s32 $0xFFFFF000  }
0x6a: {  	[tilespmem:s16], [sflag:$0x1] =	stream.indirect.gather [hbm4b:s4+s15], $0x20, s3, s15, $0xb8;
	[tilespmem:$0x1D900] =	vst v63  }
0x6b: {  	_ =	swait.ge [sflag:s1], $0x1000  }
0x6c: {  	[sflag:s1] =	ssyncset.done $0x0  }
0x6d: {  	s3 =	sadd.s32 $0x13C00, s21;
	[sflag:s1] =	ssyncadd.s32 $0xFFFFF000  }
0x6e: {  	[tilespmem:s18], [sflag:$0x2] =	stream.indirect.gather [hbm4b:s4+s15], $0x20, s3, s15, $0xb8;
	[tilespmem:$0x1D900] =	vst v63  }
0x6f: {  	_ =	swait.ge [sflag:s0], $0x1000  }
0x70: {  	[sflag:s0] =	ssyncset.done $0x0  }
0x71: {  	s3 =	sadd.s32 $0x13C80, s21;
	[sflag:s0] =	ssyncadd.s32 $0xFFFFF000  }
0x72: {  	[tilespmem:s20], [sflag:$0x3] =	stream.indirect.gather [hbm4b:s4+s15], $0x20, s3, s15, $0xb8;
	[tilespmem:$0x1D900] =	vst v63  }
0x73: {  	_ =	swait.ge [sflag:s12], $0x1000  }
0x74: {  	[sflag:s12] =	ssyncset.done $0x0  }
.Ltmp0:
0x75: {  	s3 =	sadd.s32 $0x13D00, s21;
	[sflag:s12] =	ssyncadd.s32 $0xFFFFF000;
	(pc) =	sbr.rel @p0 .LBB2_2-.Ltmp0, $4  }
0x76: {  	[tilespmem:s22], [sflag:$0x4] =	stream.indirect.gather [hbm4b:s4+s15], $0x20, s3, s15, $0xb8;
	[tilespmem:$0x1D900] =	vst v63  }
0x77: {  	_ =	swait.ge [sflag:s17], $0x1000  }
0x78: {  	[sflag:s17] =	ssyncset.done $0x0  }
0x79: {  	s21 =	sadd.s32 $0x13D80, s21;
	[sflag:s17] =	ssyncadd.s32 $0xFFFFF000  }
0x7a: {  	[tilespmem:s24], [sflag:$0x5] =	stream.indirect.gather [hbm4b:s4+s15], $0x20, s21, s15, $0xb8;
	[tilespmem:$0x1D900] =	vst v63  }
0x7b: {  	_ =	swait.ge [sflag:s25], $0x1000  }
0x7c: {  	[sflag:s25] =	ssyncset.done $0x0  }
0x7d: {  	s3 =	simm.s32 $0x18680;
	[sflag:s25] =	ssyncadd.s32 $0xFFFFF000  }
0x7e: {  	[spmem:s2] =	stream.indirect.scatter.add.f32 [tilespmem:s16], [sflag:$0x6], $0x20, s3, s15, $0xb8;
	[tilespmem:$0x1D900] =	vst v63  }
0x7f: {  	_ =	swait.ge [sflag:s26], $0x1000  }
0x80: {  	[sflag:s26] =	ssyncset.done $0x0  }
0x81: {  	s19 =	simm.s32 $0x18700;
	[sflag:s26] =	ssyncadd.s32 $0xFFFFF000  }
0x82: {  	[spmem:s2] =	stream.indirect.scatter.add.f32 [tilespmem:s18], [sflag:$0x7], $0x20, s19, s15, $0xb8;
	[tilespmem:$0x1D900] =	vst v63  }
0x83: {  	_ =	swait.ge [sflag:s28], $0x1000  }
0x84: {  	[sflag:s28] =	ssyncset.done $0x0  }
0x85: {  	s21 =	simm.s32 $0x18780;
	[sflag:s28] =	ssyncadd.s32 $0xFFFFF000  }
0x86: {  	[spmem:s2] =	stream.indirect.scatter.add.f32 [tilespmem:s20], [sflag:$0x8], $0x20, s21, s15, $0xb8;
	[tilespmem:$0x1D900] =	vst v63  }
0x87: {  	_ =	swait.ge [sflag:s29], $0x1000  }
0x88: {  	[sflag:s29] =	ssyncset.done $0x0  }
0x89: {  	s19 =	simm.s32 $0x18800;
	[sflag:s29] =	ssyncadd.s32 $0xFFFFF000  }
0x8a: {  	[spmem:s2] =	stream.indirect.scatter.add.f32 [tilespmem:s22], [sflag:$0x9], $0x20, s19, s15, $0xb8;
	[tilespmem:$0x1D900] =	vst v63  }
0x8b: {  	_ =	swait.ge [sflag:s30], $0x1000  }
0x8c: {  	[sflag:s30] =	ssyncset.done $0x0  }
0x8d: {  	s21 =	simm.s32 $0x18880;
	[sflag:s30] =	ssyncadd.s32 $0xFFFFF000  }
0x8e: {  	[spmem:s2] =	stream.indirect.scatter.add.f32 [tilespmem:s24], [sflag:$0xA], $0x20, s21, s15, $0xb8;
	[tilespmem:$0x1D900] =	vst v63  }
0x8f: {  	_ =	swait.ge [sflag:s31], $0x1000  }
0x90: {  	[sflag:s31] =	ssyncset.done $0x0  }
0x91: {  	[sflag:s31] =	ssyncadd.s32 $0xFFFFF000  }
0x92: {  	_ =	swait.ge [sflag:s1], $0x1000  }
0x93: {  	[sflag:s1] =	ssyncset.done $0x0  }
0x94: {  	[sflag:s1] =	ssyncadd.s32 $0xFFFFF000  }
0x95: {  	_ =	swait.ge [sflag:s0], $0x1000  }
0x96: {  	[sflag:s0] =	ssyncset.done $0x0  }
0x97: {  	[sflag:s0] =	ssyncadd.s32 $0xFFFFF000  }
0x98: {  	_ =	swait.ge [sflag:s12], $0x1000  }
0x99: {  	[sflag:s12] =	ssyncset.done $0x0  }
0x9a: {  	[sflag:s12] =	ssyncadd.s32 $0xFFFFF000  }
0x9b: {  	_ =	swait.ge [sflag:s17], $0x1000  }
0x9c: {  	s23 =	sadd.s32 $0x1, s23;
	[sflag:s17] =	ssyncset.done $0x0  }
0x9d: {  	p0 =	sne.s32 s23, s9;
	[sflag:s17] =	ssyncadd.s32 $0xFFFFF000  }
.Ltmp1:
0x9e: {  	[bflag:$0x0] =	sbarrier.arrive $0xFFFF;
	(pc) =	sbr.rel @p0 .LBB2_1-.Ltmp1, $4  }
0x9f: {  	[hbm:s8], [sflag:s13] =	dma.local [spmem:s14], $0x2720  }
0xa0: {  	_ =	swait.ge [sflag:s11], $0x2720  }
0xa1: {  	[sflag:s11] =	ssyncset.done $0x0  }
0xa2: {  	[sflag:s11] =	ssyncadd.s32 $0xFFFFD8E0  }
0xa3: {  	_ =	sfence.sel $0x180000  }
0xa4: {  	[bflag:$0x0] =	sbarrier.arrive $0xFFFF  }
0xa5: {  	_ =	strace $0x9000004A  }
0xa6: {  	s0 =	stileid.u32;
	[bflag:$0x2] =	sbarrier.arrive $0xFFFF  }
0xa7: {  	p0 =	sne.s32 s0, $0x0;
	s0 =	rddreg [dreg:$0x2]  }
0xa8: {  	s0 =	sadd.s32 @!p0 $0x100000, s0  }
0xa9: {  	[sflag:s0] =	ssyncadd.tile.s32 @!p0 $0x1;
	_ =	shalt  }
.Lfunc_end2:
_tile_overlayer_lowered:
.L_overlay_start_2:
0xaa: {  	(tag) =	ssettag $0x2  }
0xab: {  	s0 =	rddreg [dreg:$0x0];
	s2 =	stileid.u32  }
0xac: {  	s1 =	rddreg [dreg:$0x1];
	p0 =	sne.s32 s2, $0x0  }
0xad: {  	s3 =	rddreg [dreg:$0x2];
	[bflag:$0x3] =	sbarrier.arrive $0xFFFF;
	s2 =	simm.s32 @!p0 $0x1C0B  }
0xae: {  	[timem:s3], [sflag:s2] =	dma.local @!p0 [hbm:s0], s1  }
0xaf: {  	s0 =	simm.s32 @!p0 $0xB  }
0xb0: {  	_ =	swait.ge @!p0 [sflag:s0], s1  }
0xb1: {  	s1 =	ssub.s32 @!p0 $0x0, s1;
	[sflag:s0] =	ssyncset.done @!p0 $0x0  }
0xb2: {  	[sflag:s0] =	ssyncadd.s32 @!p0 s1  }
0xb3: {  	[bflag:$0x3] =	sbarrier.arrive $0xFFFF  }
0xb4: {  	_ =	shalt  }

// kernel: kernel.8.cloned.1.call-start
scs
__scs_entry_jumppad:
0x0: {  	(pc) =	sbr.rel $0x88, $3  }
0x1: {  	(tag) =	ssettag $0x0;
	lr =	simm.s32 $0x1  }
0x2: {  	[smem:$0x3F93] =	sst lr;
	_ =	strace $0xD0000000  }
0x3: {  	_ = 	snop  }
0x4: {  	_ = 	snop  }
0x5: {  	_ = 	snop  }
0x6: {  	_ = 	snop  }
0x7: {  	_ = 	snop  }
__scs_overlays_trampoline_lowered:
0x8: {  	[smem:$0x3FA2] =	sst s0  }
0x9: {  	[smem:$0x3FA3] =	sst s1  }
0xa: {  	[smem:$0x3FA4] =	sst s2  }
0xb: {  	[smem:$0x3FA5] =	sst s3  }
0xc: {  	[smem:$0x3FA6] =	sst s4  }
0xd: {  	[smem:$0x3FA7] =	sst s5  }
0xe: {  	[smem:$0x3FA8] =	sst s6  }
0xf: {  	[smem:$0x3FA9] =	sst s7  }
0x10: {  	[smem:$0x3FAA] =	sst s8  }
0x11: {  	[smem:$0x3FAB] =	sst s9;
	s0 =	simm.s32 @!p0 $0x0  }
0x12: {  	s1 =	sld [smem:$0x3F91];
	s0 =	simm.s32 @p0 $0x1  }
0x13: {  	[smem:$0x3FAC] =	sst s0;
	s0 =	simm.s32 @!p1 $0x0  }
0x14: {  	s2 =	sld [smem:$0x3F90];
	s0 =	simm.s32 @p1 $0x1  }
0x15: {  	[smem:$0x3FAD] =	sst s0;
	s0 =	simm.s32 @!p2 $0x0  }
0x16: {  	s3 =	sld [smem:$0x3FDB];
	s0 =	simm.s32 @p2 $0x1  }
0x17: {  	s4 =	simm.s32 $0x1BF5;
	[smem:$0x3FAF] =	sst s0  }
0x18: {  	s0 =	sld [smem:$0x3F92];
	_ =	swait.ge [sflag:s4], $0x0  }
0x19: {  	s7 =	sld [smem:$0x3F93]  }
0x1a: {  	s8 =	sadd.s32 $0xFFFFE003, lr  }
0x1b: {  	s9 =	sadd.s32 $0xFFFFFEF7, lr;
	s5 =	simm.s32 $0xFFFFFFFF;
	p2 =	slt.u32 s8, $0xFFFFF086  }
0x1c: {  	p1 =	slt.u32 s9, $0xF7A;
	s5 =	simm.s32 @!p2 $0x0  }
0x1d: {  	s5 =	simm.s32 @p1 $0x1;
	p0 =	seq.s32 s7, s2  }
0x1e: {  	s7 =	smul.u32 @!p0 $0xF7A, s2;
	p2 =	seq.s32 @!p0 s5, $0x0  }
0x1f: {  	s9 =	smul.u32 $0xF7A, s1;
	s8 =	simm.s32 @!p0 $0x1BF5;
	p2 =	por !p2, p0  }
0x20: {  	[sflag:s8] =	ssyncset.s32 @!p0 $0xFFFFF086;
	s6 =	sadd.s32 @!p0 s3, s7;
	s7 =	simm.s32 @!p0 $0x108  }
0x21: {  	s3 =	sadd.s32 s3, s9;
	s6 =	sadd.s32 @!p0 $0x88, s6;
	s7 =	simm.s32 @p2 $0x1082  }
0x22: {  	[simem:s7], [sflag:s8] =	dma.local @!p0 [hbm:s6], $0xF7A  }
0x23: {  	s9 =	sor.u32 $0xD0000000, s2;
	s6 =	simm.s32 $0x108;
	_ =	swait.ge @!p0 [sflag:s8], $0x0  }
0x24: {  	s3 =	sadd.s32 $0x88, s3;
	s6 =	simm.s32 @!p1 $0x1082;
	[sflag:s4] =	ssyncset.s32 $0xFFFFF086  }
0x25: {  	[simem:s6], [sflag:s4] =	dma.local [hbm:s3], $0xF7A  }
0x26: {  	[smem:$0x3F93] =	sst s1;
	(tag) =	ssettag s2;
	_ =	strace s9  }
0x27: {  	s1 =	sld [smem:$0x3FA3]  }
0x28: {  	s2 =	sld [smem:$0x3FA4]  }
0x29: {  	s4 =	sld [smem:$0x3FA6]  }
0x2a: {  	p0 =	seq.s32 s5, $0x0;
	s5 =	sld [smem:$0x3FA7]  }
0x2b: {  	s6 =	sld [smem:$0x3FA8]  }
0x2c: {  	s7 =	sld [smem:$0x3FA9]  }
0x2d: {  	s3 =	simm.s32 $0x108;
	s8 =	sld [smem:$0x3FAA]  }
0x2e: {  	s3 =	simm.s32 @!p0 $0x1082;
	s9 =	sld [smem:$0x3FAB]  }
0x2f: {  	lr =	sadd.s32 s0, s3;
	s0 =	sld [smem:$0x3FA2]  }
0x30: {  	s3 =	sld [smem:$0x3FA5]  }
0x31: {  	[smem:$0x3FAE] =	sst s10  }
0x32: {  	s10 =	sld [smem:$0x3FAC];
	_ =	sdelay $0x3  }
0x33: {  	p0 =	seq.s32 s10, $0x1;
	s10 =	sld [smem:$0x3FAE];
	_ =	sdelay $0x3  }
0x34: {  	[smem:$0x3FAE] =	sst s10  }
0x35: {  	s10 =	sld [smem:$0x3FAD];
	_ =	sdelay $0x3  }
0x36: {  	p1 =	seq.s32 s10, $0x1;
	s10 =	sld [smem:$0x3FAE];
	_ =	sdelay $0x3  }
0x37: {  	[smem:$0x3FAE] =	sst s10  }
0x38: {  	s10 =	sld [smem:$0x3FAF]  }
0x39: {  	_ = 	snop;
	(pc) =	sbr.ind lr, $3  }
0x3a: {  	_ = 	snop  }
0x3b: {  	_ = 	snop  }
0x3c: {  	p2 =	seq.s32 s10, $0x1;
	s10 =	sld [smem:$0x3FAE]  }
0x3d: {  	_ =	shalt  }
0x3e: {  	_ =	shalt  }
0x3f: {  	_ =	shalt  }
0x40: {  	_ =	shalt  }
0x41: {  	_ =	shalt  }
0x42: {  	_ =	shalt  }
0x43: {  	_ =	shalt  }
0x44: {  	_ =	shalt  }
0x45: {  	_ =	shalt  }
0x46: {  	_ =	shalt  }
0x47: {  	_ =	shalt  }
0x48: {  	_ =	shalt  }
0x49: {  	_ =	shalt  }
0x4a: {  	_ =	shalt  }
0x4b: {  	_ =	shalt  }
0x4c: {  	_ =	shalt  }
0x4d: {  	_ =	shalt  }
0x4e: {  	_ =	shalt  }
0x4f: {  	_ =	shalt  }
0x50: {  	_ =	shalt  }
0x51: {  	_ =	shalt  }
0x52: {  	_ =	shalt  }
0x53: {  	_ =	shalt  }
0x54: {  	_ =	shalt  }
0x55: {  	_ =	shalt  }
0x56: {  	_ =	shalt  }
0x57: {  	_ =	shalt  }
0x58: {  	_ =	shalt  }
0x59: {  	_ =	shalt  }
0x5a: {  	_ =	shalt  }
0x5b: {  	_ =	shalt  }
0x5c: {  	_ =	shalt  }
0x5d: {  	_ =	shalt  }
0x5e: {  	_ =	shalt  }
0x5f: {  	_ =	shalt  }
0x60: {  	_ =	shalt  }
0x61: {  	_ =	shalt  }
0x62: {  	_ =	shalt  }
0x63: {  	_ =	shalt  }
0x64: {  	_ =	shalt  }
0x65: {  	_ =	shalt  }
0x66: {  	_ =	shalt  }
0x67: {  	_ =	shalt  }
0x68: {  	_ =	shalt  }
0x69: {  	_ =	shalt  }
0x6a: {  	_ =	shalt  }
0x6b: {  	_ =	shalt  }
0x6c: {  	_ =	shalt  }
0x6d: {  	_ =	shalt  }
0x6e: {  	_ =	shalt  }
0x6f: {  	_ =	shalt  }
0x70: {  	_ =	shalt  }
0x71: {  	_ =	shalt  }
0x72: {  	_ =	shalt  }
0x73: {  	_ =	shalt  }
0x74: {  	_ =	shalt  }
0x75: {  	_ =	shalt  }
0x76: {  	_ =	shalt  }
0x77: {  	_ =	shalt  }
0x78: {  	_ =	shalt  }
0x79: {  	_ =	shalt  }
0x7a: {  	_ =	shalt  }
0x7b: {  	_ =	shalt  }
0x7c: {  	_ =	shalt  }
0x7d: {  	_ =	shalt  }
0x7e: {  	_ =	shalt  }
0x7f: {  	_ =	shalt  }
0x80: {  	_ =	shalt  }
0x81: {  	_ =	shalt  }
0x82: {  	_ =	shalt  }
0x83: {  	_ =	shalt  }
0x84: {  	_ =	shalt  }
0x85: {  	_ =	shalt  }
0x86: {  	_ =	shalt  }
0x87: {  	_ =	shalt  }
.Lfunc_end0:
.L_simem_size_0:
called_computation_lowered:
.L_overlay_start_0:
0x88: {  	s2 =	sld [smem:$0x3FD9]  }
0x89: {  	s3 =	sld [smem:$0x3FFE];
	_ =	sdelay $0x1  }
0x8a: {  	s1 =	srdreg.scid  }
0x8b: {  	s0 =	sand.u32 $0x1, s1  }
0x8c: {  	s16 =	sshll.u32 s0, $0xA;
	s2 =	sadd.s32 s3, s2  }
0x8d: {  	s2 =	sadd.s32 s2, s16  }
0x8e: {  	[smem:$0x3FBA] =	sst s2  }
0x8f: {  	_ = 	snop  }
0x90: {  	(tm) =	ssettm $0x1  }
0x91: {  	s17 =	sld [smem:$0x3FFB];
	_ =	sdelay $0x3  }
0x92: {  	_ =	strace s17  }
0x93: {  	s2 =	sld [smem:$0x3FFC];
	_ =	sdelay $0x3  }
0x94: {  	_ =	strace s2  }
0x95: {  	s2 =	sld [smem:$0x3FFD];
	_ =	sdelay $0x3  }
0x96: {  	_ =	strace s2  }
0x97: {  	_ =	strace $0x8FFFFFFF  }
0x98: {  	s18 =	sld [smem:$0x3FDB];
	_ =	sdelay $0x1  }
0x99: {  	s19 =	simm.s32 $_scs_section_size  }
0x9a: {  	s4 =	simm.s32 $_size__tile_overlayer_lowered;
	s5 =	simm.s32 $_tile_overlayer_lowered  }
0x9b: {  	s22 =	simm.s32 $0x1BFF;
	s21 =	sshll.u32 s5, $0x1;
	s2 =	sadd.s32 s19, s18  }
0x9c: {  	s6 =	simm.s32 $0x0;
	s20 =	sshll.u32 s4, $0x1;
	s4 =	sadd.s32 s21, s2  }
0x9d: {  	[timem:s6], [sflag:s22] =	dma.local [hbm:s4], s20  }
0x9e: {  	_ =	swait.ge [sflag:s22], s20  }
0x9f: {  	s3 =	ssub.s32 $0x0, s20;
	[sflag:s22] =	ssyncset.done $0x0  }
0xa0: {  	[sflag:s22] =	ssyncadd.s32 s3;
	_ =	sdelay $0x1  }
0xa1: {  	s23 =	simm.s32 $0x1B8B  }
0xa2: {  	_ =	swait.ge [sflag:s23], $0x1  }
0xa3: {  	[sflag:s23] =	ssyncset.done $0x0  }
0xa4: {  	s25 =	simm.s32 $0x1B8E;
	s24 =	sld [smem:$0x3FFE];
	[sflag:s23] =	ssyncadd.s32 $0xFFFFFFFF  }
0xa5: {  	s26 =	simm.s32 $execute0_lowered;
	[smem:$0x3FD2] =	sst s25  }
0xa6: {  	s4 =	sshll.u32 s26, $0x1;
	_ =	strace $0x80000046;
	[dreg:$0x1] =	wrdreg $0xFFFFFFFF  }
0xa7: {  	s28 =	simm.s32 $_size_execute0_lowered;
	s2 =	sadd.s32 s2, s4;
	[dreg:$0x0] =	wrdreg $0x0  }
0xa8: {  	s4 =	sshll.u32 s28, $0x1;
	[dreg:$0x2] =	wrdreg s2  }
0xa9: {  	[dreg:$0x3] =	wrdreg s4  }
0xaa: {  	[dreg:$0x4] =	wrdreg $0xC0  }
0xab: {  	_ =	task [dreg:s6], $0x5FFFF  }
0xac: {  	[dreg:$0x1] =	wrdreg $0xFFFFFFFF  }
0xad: {  	[dreg:$0x0] =	wrdreg $0x60  }
0xae: {  	[dreg:$0x2] =	wrdreg s24  }
0xaf: {  	[dreg:$0x3] =	wrdreg $0x0  }
0xb0: {  	[dreg:$0x4] =	wrdreg $0x9  }
0xb1: {  	_ =	task.clear_ibuf [dreg:s6], $0x5FFFF;
	_ =	strace $0x90000046  }
0xb2: {  	s29 =	simm.s32 $0x9;
	_ =	strace $0x80000048  }
0xb3: {  	_ =	swait.ge [sflag:s29], $0x1  }
0xb4: {  	[sflag:s29] =	ssyncadd.s32 $0xFFFFFFFF  }
0xb5: {  	_ =	strace $0x90000048  }
0xb6: {  	_ =	sfence  }
0xb7: {  	s30 =	sld [smem:$0x0];
	_ =	sdelay $0x2  }
0xb8: {  	s31 =	sshll.u32 s1, $0xD;
	s1 =	sshrl.u32 s1, $0x2  }
0xb9: {  	s3 =	sand.u32 $0x4000, s31;
	s1 =	sadd.s32 s1, s30  }
0xba: {  	s0 =	sor.u32 s3, s0;
	s1 =	sshll.u32 s1, $0x11  }
0xbb: {  	s0 =	sor.u32 s1, s0  }
0xbc: {  	s0 =	sadd.s32 $0x8F2B, s0  }
0xbd: {  	[sflag:s0] =	ssyncadd.remote.s32 $0x1  }
0xbe: {  	_ =	sfence.sel $0xFFFF  }
0xbf: {  	[dreg:$0x0] =	wrdreg $0xFFFFFFFF;
	(pc) =	sbr.abs _section_cstart, $3  }
0xc0: {  	[dreg:$0x1] =	wrdreg $0xFFFFFFFF  }
0xc1: {  	_ =	task.clear_ibuf [dreg:s6], $0x2FFFF;
	_ =	strace $0x9FFFFFFF  }
0xc2: {  	(tm) =	ssettm $0x7FFFFFFF  }
0xc3: {  	_ =	shalt  }
tec
execute0_lowered:
.L_overlay_start_1:
0x0: {  	(tag) =	ssettag $0x1  }
0x1: {  	s0 =	srdreg.scid  }
0x2: {  	s3 =	stileid.u32;
	s5 =	rddreg [dreg:$0x0]  }
0x3: {  	s2 =	rddreg [dreg:$0x1];
	s4 =	simm.s32 $0x0;
	s10 =	simm.s32 $0x13900  }
0x4: {  	s11 =	simm.s32 $0xB;
	s15 =	simm.s32 $0x80;
	s16 =	simm.s32 $0x18900  }
0x5: {  	s18 =	simm.s32 $0x19900;
	s20 =	simm.s32 $0x1A900;
	s22 =	simm.s32 $0x1B900  }
0x6: {  	s28 =	simm.s32 $0x3;
	s29 =	simm.s32 $0x4;
	s30 =	simm.s32 $0x5  }
0x7: {  	s31 =	simm.s32 $0x6;
	s12 =	simm.s32 $0x9;
	s17 =	simm.s32 $0xA  }
0x8: {  	s23 =	simm.s32 $0x0;
	s0 =	sand.u32 $0x1, s0;
	s7 =	smul.u32 $0x13900, s3  }
0x9: {  	[smem:$0x7FF] =	sst s4;
	s4 =	sadd.s32 $0x17200, s5;
	s26 =	sshll.u32 s3, $0x6  }
0xa: {  	s1 =	sshll.u32 s0, $0x4;
	s6 =	smul.u32 $0x139000, s0;
	_ =	strace $0x80000047  }
0xb: {  	s0 =	ssub.s32 $0x2, s0;
	s13 =	sor.u32 $0x1C0B, s26;
	s26 =	simm.s32 $0x2  }
0xc: {  	s1 =	sor.u32 s3, s1;
	s8 =	sshrl.u32 s7, $0x3;
	s24 =	sshrl.u32 s0, $0x1  }
0xd: {  	s25 =	sadd.s32 s7, s2;
	s1 =	smul.u32 $0x500, s1;
	s6 =	sadd.s32 s7, s6  }
0xe: {  	s8 =	sadd.s32 s8, s5;
	s0 =	ssub.s32 s0, s24;
	s14 =	sshrl.u32 s25, $0x3  }
0xf: {  	s24 =	simm.s32 $0x1C900;
	s25 =	simm.s32 $0x1;
	s6 =	sshrl.u32 s6, $0x3  }
0x10: {  	s7 =	sadd.s32 $0x3E400, s8;
	s1 =	sadd.s32 s1, s5;
	s9 =	sadd.s32 s6, s5  }
0x11: {  	s5 =	sadd.s32 $0x3200, s1;
	s6 =	sadd.s32 $0xD200, s1;
	s8 =	sadd.s32 $0x65600, s9  }
0x12: {  	s9 =	smax.u32 s0, $0x1;
	s1 =	simm.s32 $0x7;
	s0 =	simm.s32 $0x8  }
.LBB2_1:
0x13: {  	s3 =	simm.s32 $0x0  }
0x14: {  	[tilespmem:s10], [sflag:$0xB] =	stream.linear.gather [hbm4b:s5+s3], $0x2800, $0x38;
	[tilespmem:$0x1D900] =	vst v63  }
0x15: {  	_ =	swait.ge [sflag:s11], $0x2800  }
0x16: {  	[sflag:s11] =	ssyncset.done $0x0  }
0x17: {  	s19 =	simm.s32 $0x16100;
	[sflag:s11] =	ssyncadd.s32 $0xFFFFD800  }
0x18: {  	[tilespmem:s19], [sflag:$0xB] =	stream.linear.gather [hbm4b:s6+s3], $0x2800, $0x38;
	[tilespmem:$0x1D900] =	vst v63  }
0x19: {  	_ =	swait.ge [sflag:s11], $0x2800  }
0x1a: {  	[sflag:s11] =	ssyncset.done $0x0  }
0x1b: {  	[sflag:s11] =	ssyncadd.s32 $0xFFFFD800  }
0x1c: {  	[spmem:s14], [sflag:s13] =	dma.local [hbm:s7], $0x2720  }
0x1d: {  	_ =	swait.ge [sflag:s11], $0x2720  }
0x1e: {  	[sflag:s11] =	ssyncset.done $0x0  }
0x1f: {  	[sflag:s11] =	ssyncadd.s32 $0xFFFFD8E0  }
0x20: {  	[bflag:$0x0] =	sbarrier.arrive $0xFFFF  }
0x21: {  	[tilespmem:s16], [sflag:$0x1] =	stream.indirect.gather [hbm4b:s4+s15], $0x20, s10, s15, $0xb8;
	[tilespmem:$0x1D900] =	vst v63  }
0x22: {  	s21 =	simm.s32 $0x13980  }
0x23: {  	[tilespmem:s18], [sflag:$0x2] =	stream.indirect.gather [hbm4b:s4+s15], $0x20, s21, s15, $0xb8;
	[tilespmem:$0x1D900] =	vst v63  }
0x24: {  	s19 =	simm.s32 $0x13A00  }
0x25: {  	[tilespmem:s20], [sflag:$0x3] =	stream.indirect.gather [hbm4b:s4+s15], $0x20, s19, s15, $0xb8;
	[tilespmem:$0x1D900] =	vst v63  }
0x26: {  	s21 =	simm.s32 $0x13A80  }
0x27: {  	[tilespmem:s22], [sflag:$0x4] =	stream.indirect.gather [hbm4b:s4+s15], $0x20, s21, s15, $0xb8;
	[tilespmem:$0x1D900] =	vst v63  }
0x28: {  	s19 =	simm.s32 $0x13B00  }
0x29: {  	[tilespmem:s24], [sflag:$0x5] =	stream.indirect.gather [hbm4b:s4+s15], $0x20, s19, s15, $0xb8;
	[tilespmem:$0x1D900] =	vst v63  }
0x2a: {  	_ =	swait.ge [sflag:s25], $0x1000  }
0x2b: {  	[sflag:s25] =	ssyncset.done $0x0  }
0x2c: {  	s21 =	simm.s32 $0x16100;
	[sflag:s25] =	ssyncadd.s32 $0xFFFFF000  }
0x2d: {  	[spmem:s2] =	stream.indirect.scatter.add.f32 [tilespmem:s16], [sflag:$0x6], $0x20, s21, s15, $0xb8;
	[tilespmem:$0x1D900] =	vst v63  }
0x2e: {  	_ =	swait.ge [sflag:s26], $0x1000  }
0x2f: {  	[sflag:s26] =	ssyncset.done $0x0  }
0x30: {  	s3 =	simm.s32 $0x16180;
	[sflag:s26] =	ssyncadd.s32 $0xFFFFF000  }
0x31: {  	[spmem:s2] =	stream.indirect.scatter.add.f32 [tilespmem:s18], [sflag:$0x7], $0x20, s3, s15, $0xb8;
	[tilespmem:$0x1D900] =	vst v63  }
0x32: {  	_ =	swait.ge [sflag:s28], $0x1000  }
0x33: {  	[sflag:s28] =	ssyncset.done $0x0  }
0x34: {  	s21 =	simm.s32 $0x16200;
	[sflag:s28] =	ssyncadd.s32 $0xFFFFF000  }
0x35: {  	[spmem:s2] =	stream.indirect.scatter.add.f32 [tilespmem:s20], [sflag:$0x8], $0x20, s21, s15, $0xb8;
	[tilespmem:$0x1D900] =	vst v63  }
0x36: {  	_ =	swait.ge [sflag:s29], $0x1000  }
0x37: {  	[sflag:s29] =	ssyncset.done $0x0  }
0x38: {  	s3 =	simm.s32 $0x16280;
	[sflag:s29] =	ssyncadd.s32 $0xFFFFF000  }
0x39: {  	[spmem:s2] =	stream.indirect.scatter.add.f32 [tilespmem:s22], [sflag:$0x9], $0x20, s3, s15, $0xb8;
	[tilespmem:$0x1D900] =	vst v63  }
0x3a: {  	_ =	swait.ge [sflag:s30], $0x1000  }
0x3b: {  	[sflag:s30] =	ssyncset.done $0x0  }
0x3c: {  	s21 =	simm.s32 $0x16300;
	[sflag:s30] =	ssyncadd.s32 $0xFFFFF000  }
0x3d: {  	[spmem:s2] =	stream.indirect.scatter.add.f32 [tilespmem:s24], [sflag:$0xA], $0x20, s21, s15, $0xb8;
	[tilespmem:$0x1D900] =	vst v63  }
0x3e: {  	_ =	swait.ge [sflag:s31], $0x1000  }
0x3f: {  	[sflag:s31] =	ssyncset.done $0x0  }
0x40: {  	s3 =	simm.s32 $0x13B80;
	[sflag:s31] =	ssyncadd.s32 $0xFFFFF000  }
0x41: {  	[tilespmem:s16], [sflag:$0x1] =	stream.indirect.gather [hbm4b:s4+s15], $0x20, s3, s15, $0xb8;
	[tilespmem:$0x1D900] =	vst v63  }
0x42: {  	_ =	swait.ge [sflag:s1], $0x1000  }
0x43: {  	[sflag:s1] =	ssyncset.done $0x0  }
0x44: {  	s21 =	simm.s32 $0x13C00;
	[sflag:s1] =	ssyncadd.s32 $0xFFFFF000  }
0x45: {  	[tilespmem:s18], [sflag:$0x2] =	stream.indirect.gather [hbm4b:s4+s15], $0x20, s21, s15, $0xb8;
	[tilespmem:$0x1D900] =	vst v63  }
0x46: {  	_ =	swait.ge [sflag:s0], $0x1000  }
0x47: {  	[sflag:s0] =	ssyncset.done $0x0  }
0x48: {  	s3 =	simm.s32 $0x13C80;
	[sflag:s0] =	ssyncadd.s32 $0xFFFFF000  }
0x49: {  	[tilespmem:s20], [sflag:$0x3] =	stream.indirect.gather [hbm4b:s4+s15], $0x20, s3, s15, $0xb8;
	[tilespmem:$0x1D900] =	vst v63  }
0x4a: {  	_ =	swait.ge [sflag:s12], $0x1000  }
0x4b: {  	[sflag:s12] =	ssyncset.done $0x0  }
0x4c: {  	s21 =	simm.s32 $0x13D00;
	[sflag:s12] =	ssyncadd.s32 $0xFFFFF000  }
0x4d: {  	[tilespmem:s22], [sflag:$0x4] =	stream.indirect.gather [hbm4b:s4+s15], $0x20, s21, s15, $0xb8;
	[tilespmem:$0x1D900] =	vst v63  }
0x4e: {  	_ =	swait.ge [sflag:s17], $0x1000  }
0x4f: {  	[sflag:s17] =	ssyncset.done $0x0  }
0x50: {  	s19 =	simm.s32 $0xA00;
	s21 =	simm.s32 $0x13D80;
	[sflag:s17] =	ssyncadd.s32 $0xFFFFF000  }
.LBB2_2:
0x51: {  	[tilespmem:s24], [sflag:$0x5] =	stream.indirect.gather [hbm4b:s4+s15], $0x20, s21, s15, $0xb8;
	[tilespmem:$0x1D900] =	vst v63  }
0x52: {  	s21 =	smov.u32 s19  }
0x53: {  	p0 =	sne.s32 s19, $0x8C00;
	s19 =	sadd.s32 $0xA00, s19;
	_ =	swait.ge [sflag:s25], $0x1000  }
0x54: {  	s21 =	sshra.s32 s21, $0x2;
	[sflag:s25] =	ssyncset.done $0x0  }
0x55: {  	s3 =	sadd.s32 $0x16100, s21;
	[sflag:s25] =	ssyncadd.s32 $0xFFFFF000  }
0x56: {  	[spmem:s2] =	stream.indirect.scatter.add.f32 [tilespmem:s16], [sflag:$0x6], $0x20, s3, s15, $0xb8;
	[tilespmem:$0x1D900] =	vst v63  }
0x57: {  	_ =	swait.ge [sflag:s26], $0x1000  }
0x58: {  	[sflag:s26] =	ssyncset.done $0x0  }
0x59: {  	s3 =	sadd.s32 $0x16180, s21;
	[sflag:s26] =	ssyncadd.s32 $0xFFFFF000  }
0x5a: {  	[spmem:s2] =	stream.indirect.scatter.add.f32 [tilespmem:s18], [sflag:$0x7], $0x20, s3, s15, $0xb8;
	[tilespmem:$0x1D900] =	vst v63  }
0x5b: {  	_ =	swait.ge [sflag:s28], $0x1000  }
0x5c: {  	[sflag:s28] =	ssyncset.done $0x0  }
0x5d: {  	s3 =	sadd.s32 $0x16200, s21;
	[sflag:s28] =	ssyncadd.s32 $0xFFFFF000  }
0x5e: {  	[spmem:s2] =	stream.indirect.scatter.add.f32 [tilespmem:s20], [sflag:$0x8], $0x20, s3, s15, $0xb8;
	[tilespmem:$0x1D900] =	vst v63  }
0x5f: {  	_ =	swait.ge [sflag:s29], $0x1000  }
0x60: {  	[sflag:s29] =	ssyncset.done $0x0  }
0x61: {  	s3 =	sadd.s32 $0x16280, s21;
	[sflag:s29] =	ssyncadd.s32 $0xFFFFF000  }
0x62: {  	[spmem:s2] =	stream.indirect.scatter.add.f32 [tilespmem:s22], [sflag:$0x9], $0x20, s3, s15, $0xb8;
	[tilespmem:$0x1D900] =	vst v63  }
0x63: {  	_ =	swait.ge [sflag:s30], $0x1000  }
0x64: {  	[sflag:s30] =	ssyncset.done $0x0  }
0x65: {  	s3 =	sadd.s32 $0x16300, s21;
	[sflag:s30] =	ssyncadd.s32 $0xFFFFF000  }
0x66: {  	[spmem:s2] =	stream.indirect.scatter.add.f32 [tilespmem:s24], [sflag:$0xA], $0x20, s3, s15, $0xb8;
	[tilespmem:$0x1D900] =	vst v63  }
0x67: {  	_ =	swait.ge [sflag:s31], $0x1000  }
0x68: {  	[sflag:s31] =	ssyncset.done $0x0  }
0x69: {  	s3 =	sadd.s32 $0x13B80, s21;
	[sflag:s31] =	ssyncadd.s32 $0xFFFFF000  }
0x6a: {  	[tilespmem:s16], [sflag:$0x1] =	stream.indirect.gather [hbm4b:s4+s15], $0x20, s3, s15, $0xb8;
	[tilespmem:$0x1D900] =	vst v63  }
0x6b: {  	_ =	swait.ge [sflag:s1], $0x1000  }
0x6c: {  	[sflag:s1] =	ssyncset.done $0x0  }
0x6d: {  	s3 =	sadd.s32 $0x13C00, s21;
	[sflag:s1] =	ssyncadd.s32 $0xFFFFF000  }
0x6e: {  	[tilespmem:s18], [sflag:$0x2] =	stream.indirect.gather [hbm4b:s4+s15], $0x20, s3, s15, $0xb8;
	[tilespmem:$0x1D900] =	vst v63  }
0x6f: {  	_ =	swait.ge [sflag:s0], $0x1000  }
0x70: {  	[sflag:s0] =	ssyncset.done $0x0  }
0x71: {  	s3 =	sadd.s32 $0x13C80, s21;
	[sflag:s0] =	ssyncadd.s32 $0xFFFFF000  }
0x72: {  	[tilespmem:s20], [sflag:$0x3] =	stream.indirect.gather [hbm4b:s4+s15], $0x20, s3, s15, $0xb8;
	[tilespmem:$0x1D900] =	vst v63  }
0x73: {  	_ =	swait.ge [sflag:s12], $0x1000  }
0x74: {  	[sflag:s12] =	ssyncset.done $0x0  }
.Ltmp0:
0x75: {  	s3 =	sadd.s32 $0x13D00, s21;
	[sflag:s12] =	ssyncadd.s32 $0xFFFFF000;
	(pc) =	sbr.rel @p0 .LBB2_2-.Ltmp0, $4  }
0x76: {  	[tilespmem:s22], [sflag:$0x4] =	stream.indirect.gather [hbm4b:s4+s15], $0x20, s3, s15, $0xb8;
	[tilespmem:$0x1D900] =	vst v63  }
0x77: {  	_ =	swait.ge [sflag:s17], $0x1000  }
0x78: {  	[sflag:s17] =	ssyncset.done $0x0  }
0x79: {  	s21 =	sadd.s32 $0x13D80, s21;
	[sflag:s17] =	ssyncadd.s32 $0xFFFFF000  }
0x7a: {  	[tilespmem:s24], [sflag:$0x5] =	stream.indirect.gather [hbm4b:s4+s15], $0x20, s21, s15, $0xb8;
	[tilespmem:$0x1D900] =	vst v63  }
0x7b: {  	_ =	swait.ge [sflag:s25], $0x1000  }
0x7c: {  	[sflag:s25] =	ssyncset.done $0x0  }
0x7d: {  	s3 =	simm.s32 $0x18680;
	[sflag:s25] =	ssyncadd.s32 $0xFFFFF000  }
0x7e: {  	[spmem:s2] =	stream.indirect.scatter.add.f32 [tilespmem:s16], [sflag:$0x6], $0x20, s3, s15, $0xb8;
	[tilespmem:$0x1D900] =	vst v63  }
0x7f: {  	_ =	swait.ge [sflag:s26], $0x1000  }
0x80: {  	[sflag:s26] =	ssyncset.done $0x0  }
0x81: {  	s19 =	simm.s32 $0x18700;
	[sflag:s26] =	ssyncadd.s32 $0xFFFFF000  }
0x82: {  	[spmem:s2] =	stream.indirect.scatter.add.f32 [tilespmem:s18], [sflag:$0x7], $0x20, s19, s15, $0xb8;
	[tilespmem:$0x1D900] =	vst v63  }
0x83: {  	_ =	swait.ge [sflag:s28], $0x1000  }
0x84: {  	[sflag:s28] =	ssyncset.done $0x0  }
0x85: {  	s21 =	simm.s32 $0x18780;
	[sflag:s28] =	ssyncadd.s32 $0xFFFFF000  }
0x86: {  	[spmem:s2] =	stream.indirect.scatter.add.f32 [tilespmem:s20], [sflag:$0x8], $0x20, s21, s15, $0xb8;
	[tilespmem:$0x1D900] =	vst v63  }
0x87: {  	_ =	swait.ge [sflag:s29], $0x1000  }
0x88: {  	[sflag:s29] =	ssyncset.done $0x0  }
0x89: {  	s19 =	simm.s32 $0x18800;
	[sflag:s29] =	ssyncadd.s32 $0xFFFFF000  }
0x8a: {  	[spmem:s2] =	stream.indirect.scatter.add.f32 [tilespmem:s22], [sflag:$0x9], $0x20, s19, s15, $0xb8;
	[tilespmem:$0x1D900] =	vst v63  }
0x8b: {  	_ =	swait.ge [sflag:s30], $0x1000  }
0x8c: {  	[sflag:s30] =	ssyncset.done $0x0  }
0x8d: {  	s21 =	simm.s32 $0x18880;
	[sflag:s30] =	ssyncadd.s32 $0xFFFFF000  }
0x8e: {  	[spmem:s2] =	stream.indirect.scatter.add.f32 [tilespmem:s24], [sflag:$0xA], $0x20, s21, s15, $0xb8;
	[tilespmem:$0x1D900] =	vst v63  }
0x8f: {  	_ =	swait.ge [sflag:s31], $0x1000  }
0x90: {  	[sflag:s31] =	ssyncset.done $0x0  }
0x91: {  	[sflag:s31] =	ssyncadd.s32 $0xFFFFF000  }
0x92: {  	_ =	swait.ge [sflag:s1], $0x1000  }
0x93: {  	[sflag:s1] =	ssyncset.done $0x0  }
0x94: {  	[sflag:s1] =	ssyncadd.s32 $0xFFFFF000  }
0x95: {  	_ =	swait.ge [sflag:s0], $0x1000  }
0x96: {  	[sflag:s0] =	ssyncset.done $0x0  }
0x97: {  	[sflag:s0] =	ssyncadd.s32 $0xFFFFF000  }
0x98: {  	_ =	swait.ge [sflag:s12], $0x1000  }
0x99: {  	[sflag:s12] =	ssyncset.done $0x0  }
0x9a: {  	[sflag:s12] =	ssyncadd.s32 $0xFFFFF000  }
0x9b: {  	_ =	swait.ge [sflag:s17], $0x1000  }
0x9c: {  	s23 =	sadd.s32 $0x1, s23;
	[sflag:s17] =	ssyncset.done $0x0  }
0x9d: {  	p0 =	sne.s32 s23, s9;
	[sflag:s17] =	ssyncadd.s32 $0xFFFFF000  }
.Ltmp1:
0x9e: {  	[bflag:$0x0] =	sbarrier.arrive $0xFFFF;
	(pc) =	sbr.rel @p0 .LBB2_1-.Ltmp1, $4  }
0x9f: {  	[hbm:s8], [sflag:s13] =	dma.local [spmem:s14], $0x2720  }
0xa0: {  	_ =	swait.ge [sflag:s11], $0x2720  }
0xa1: {  	[sflag:s11] =	ssyncset.done $0x0  }
0xa2: {  	[sflag:s11] =	ssyncadd.s32 $0xFFFFD8E0  }
0xa3: {  	_ =	sfence.sel $0x180000  }
0xa4: {  	[bflag:$0x0] =	sbarrier.arrive $0xFFFF  }
0xa5: {  	_ =	strace $0x90000047  }
0xa6: {  	s0 =	stileid.u32;
	[bflag:$0x2] =	sbarrier.arrive $0xFFFF  }
0xa7: {  	p0 =	sne.s32 s0, $0x0;
	s0 =	rddreg [dreg:$0x2]  }
0xa8: {  	s0 =	sadd.s32 @!p0 $0x100000, s0  }
0xa9: {  	[sflag:s0] =	ssyncadd.tile.s32 @!p0 $0x1;
	_ =	shalt  }
.Lfunc_end2:
_tile_overlayer_lowered:
.L_overlay_start_2:
0xaa: {  	(tag) =	ssettag $0x2  }
0xab: {  	s0 =	rddreg [dreg:$0x0];
	s2 =	stileid.u32  }
0xac: {  	s1 =	rddreg [dreg:$0x1];
	p0 =	sne.s32 s2, $0x0  }
0xad: {  	s3 =	rddreg [dreg:$0x2];
	[bflag:$0x3] =	sbarrier.arrive $0xFFFF;
	s2 =	simm.s32 @!p0 $0x1C0B  }
0xae: {  	[timem:s3], [sflag:s2] =	dma.local @!p0 [hbm:s0], s1  }
0xaf: {  	s0 =	simm.s32 @!p0 $0xB  }
0xb0: {  	_ =	swait.ge @!p0 [sflag:s0], s1  }
0xb1: {  	s1 =	ssub.s32 @!p0 $0x0, s1;
	[sflag:s0] =	ssyncset.done @!p0 $0x0  }
0xb2: {  	[sflag:s0] =	ssyncadd.s32 @!p0 s1  }
0xb3: {  	[bflag:$0x3] =	sbarrier.arrive $0xFFFF  }
0xb4: {  	_ =	shalt  }

</sc_bundles>
